<compile_context>
chip_gen: v7x
topology: tpu7x:2x2x1
jax: 0.10.2.dev20260603
libtpu: 0.0.44.dev20260713+nightly
codegen_flags: <defaults>
</compile_context>

<pallas_src>
import jax
import jax.numpy as jnp
from jax import lax
from jax.experimental import pallas as pl
from jax.experimental.pallas import tpu as pltpu
from jax.experimental.pallas import tpu_sc as plsc

B = 4
CIN = 384
H = 200
W = 176
HW = H * W
NUM_CLASS = 4
A = 6
N_POS = 512
N_NEG = 4096
M = N_POS + N_NEG
ROWS = B * HW

NC, NS = 2, 16
NW = NC * NS
SPW = M // NW


def _sc_rows(table, idx):
  mesh = plsc.VectorSubcoreMesh(
      core_axis_name="c", subcore_axis_name="s", num_cores=NC, num_subcores=NS)

  def body(tab_h, idx_h, out_h, idx_v, g_v, sem):
    wid = lax.axis_index("s") * NC + lax.axis_index("c")
    s0 = wid * SPW
    pltpu.sync_copy(idx_h.at[pl.ds(s0, SPW)], idx_v)
    cps = [
        pltpu.async_copy(tab_h.at[idx_v.at[pl.ds(0, 128)]],
                         g_v.at[pl.ds(0, 128)], sem),
        pltpu.async_copy(tab_h.at[idx_v.at[pl.ds(128, SPW - 128)]],
                         g_v.at[pl.ds(128, SPW - 128)], sem),
    ]
    for cp in cps:
      cp.wait()
    pltpu.sync_copy(g_v, out_h.at[pl.ds(s0, SPW)])

  f = pl.kernel(
      body,
      out_type=jax.ShapeDtypeStruct((M, CIN), jnp.float32),
      mesh=mesh,
      scratch_types=[
          pltpu.VMEM((SPW,), jnp.int32),
          pltpu.VMEM((SPW, CIN), jnp.float32),
          pltpu.SemaphoreType.DMA,
      ],
  )
  return f(table, idx)


def _loss_body(x_ref, w_ref, b_ref, a_ref, lbl_ref, rl_ref, out_ref):
  x = x_ref[...].astype(jnp.bfloat16)
  logits = jnp.dot(x, w_ref[...],
                   preferred_element_type=jnp.float32) + b_ref[...]
  abase = a_ref[...] * 16
  lane = lax.broadcasted_iota(jnp.int32, (M, 128), 1)
  cls = []
  for c in range(NUM_CLASS):
    sel = lane == (abase + c)
    cls.append(jnp.sum(jnp.where(sel, logits, 0.0), axis=1, keepdims=True))
  mx = jnp.maximum(jnp.maximum(cls[0], cls[1]), jnp.maximum(cls[2], cls[3]))
  se = (jnp.exp(cls[0] - mx) + jnp.exp(cls[1] - mx)
        + jnp.exp(cls[2] - mx) + jnp.exp(cls[3] - mx))
  lse = jnp.log(se) + mx
  lbl = lbl_ref[...]
  picked = sum(jnp.where(lbl == c, cls[c], 0.0) for c in range(NUM_CLASS))
  cls_loss = jnp.mean(lse - picked)

  logits_p = logits[N_NEG:, :]
  ab_p = a_ref[...][N_NEG:, :] * 16
  lane_p = lax.broadcasted_iota(jnp.int32, (N_POS, 128), 1)
  racc = jnp.zeros((), jnp.float32)
  for j in range(7):
    sel = lane_p == (ab_p + 4 + j)
    pj = jnp.sum(jnp.where(sel, logits_p, 0.0), axis=1, keepdims=True)
    d = pj - rl_ref[...][:, j:j + 1]
    ad = jnp.abs(d)
    racc = racc + jnp.sum(jnp.where(ad < 1.0, 0.5 * d * d, ad - 0.5))
  reg_loss = racc / (N_POS * 7)
  out_ref[...] = jnp.full((1, 1), cls_loss + 2.0 * reg_loss, jnp.float32)


def kernel(inputs, pos_batch_ids, pos_bbox_ids, neg_batch_ids, neg_bbox_ids,
           cls_labels, reg_labels, Wc, bc, Wr, br):
  a_l = jnp.arange(128, dtype=jnp.int32) // 16
  k_l = jnp.arange(128, dtype=jnp.int32) % 16
  valid = (a_l < A) & (k_l < NUM_CLASS + 7)
  src = jnp.where(k_l < NUM_CLASS, k_l * A + a_l,
                  NUM_CLASS * A + (k_l - NUM_CLASS) * A + a_l)
  src = jnp.where(valid, src, 0)
  wcat = jnp.concatenate([Wc, Wr], axis=0)
  wp = jnp.where(valid[None, :], wcat.T[:, src], 0.0).astype(jnp.bfloat16)
  bp = jnp.where(valid, jnp.concatenate([bc, br])[src], 0.0).reshape(1, 128)

  xt = jnp.transpose(inputs, (0, 2, 3, 1)).reshape(ROWS, CIN)

  all_b = jnp.concatenate([neg_batch_ids, pos_batch_ids]).astype(jnp.int32)
  all_t = jnp.concatenate([neg_bbox_ids, pos_bbox_ids]).astype(jnp.int32)
  a_sel = all_t // HW
  row_idx = all_b * HW + all_t % HW

  x2 = _sc_rows(xt, row_idx)

  rl_pad = jnp.concatenate(
      [reg_labels, jnp.zeros((N_POS, 1), jnp.float32)], axis=1)
  res = pl.pallas_call(
      _loss_body,
      out_shape=jax.ShapeDtypeStruct((1, 1), jnp.float32),
  )(x2, wp, bp, a_sel.reshape(M, 1), cls_labels.astype(jnp.int32).reshape(M, 1),
    rl_pad)
  return res[0, 0]

# --- scband reference (transcript-rebuilt; emitter-appended) ---
"""Pipeline reference for scband-anchor-head-base-23089744183886 (READ-ONLY COPY).

The authoritative reference and input builder live on the scoring server;
editing this copy changes nothing except your own understanding.
"""

import jax, jax.numpy as jnp
import numpy as np

B = 4
CIN = 384
H = 200
W = 176
NUM_CLASS = 4          # 3 classes + background
A = 6                  # num_anchors_per_localization = Z*S*R = 1*3*2
BOX = 7                # anchor ndim (x,y,z,dx,dy,dz,rot)
ATOT = H * W * A       # 211200 flattened anchors per sample (raw shape 200,176,1,3,2)
N_POS = 512
N_NEG = 4096
CLS_WEIGHT = 1.0
REG_WEIGHT = 2.0


def setup_inputs(seed: int = 0) -> dict:
    key = jax.random.key(seed)
    ks = jax.random.split(key, 10)
    inputs = jax.random.normal(ks[0], (B, CIN, H, W), dtype=jnp.float32)
    pos_batch_ids = jax.random.randint(ks[1], (N_POS,), 0, B)
    pos_bbox_ids = jax.random.randint(ks[2], (N_POS,), 0, ATOT)
    neg_batch_ids = jax.random.randint(ks[3], (N_NEG,), 0, B)
    neg_bbox_ids = jax.random.randint(ks[4], (N_NEG,), 0, ATOT)
    cls_labels = jax.random.randint(ks[5], (N_NEG + N_POS,), 0, NUM_CLASS)
    reg_labels = jax.random.normal(ks[6], (N_POS, BOX), dtype=jnp.float32)
    Wc = jax.random.normal(ks[7], (NUM_CLASS * A, CIN), dtype=jnp.float32) * 0.05
    bc = jnp.zeros((NUM_CLASS * A,), dtype=jnp.float32)
    Wr = jax.random.normal(ks[8], (BOX * A, CIN), dtype=jnp.float32) * 0.05
    br = jnp.zeros((BOX * A,), dtype=jnp.float32)
    return {
        'inputs': inputs,
        'pos_batch_ids': pos_batch_ids,
        'pos_bbox_ids': pos_bbox_ids,
        'neg_batch_ids': neg_batch_ids,
        'neg_bbox_ids': neg_bbox_ids,
        'cls_labels': cls_labels,
        'reg_labels': reg_labels,
        'Wc': Wc, 'bc': bc, 'Wr': Wr, 'br': br,
    }


def _conv1x1(x, Wt, b):
    # nn.Conv2d with kernel (1,1): pointwise channel mix
    return jnp.einsum('bchw,oc->bohw', x, Wt) + b[None, :, None, None]


def _pred_map_sampling(pred_map, C, batch_ids, bbox_ids):
    # pred_map: [B, C*A, H, W]. Original views to (B, C, X, Y, Z, S, R) then gathers
    # multi-dim anchor ids; since the flattened anchor id decomposes in C-order,
    # this equals reshaping to (B, C, A_total) and gathering the flat id.
    pf = pred_map.reshape(pred_map.shape[0], C, -1)
    return pf[batch_ids, :, bbox_ids]  # [M, C]


def reference(inputs, pos_batch_ids, pos_bbox_ids, neg_batch_ids, neg_bbox_ids,
              cls_labels, reg_labels, Wc, bc, Wr, br):
    cls_pred = _conv1x1(inputs, Wc, bc)   # [B, NUM_CLASS*A, H, W]
    reg_pred = _conv1x1(inputs, Wr, br)   # [B, BOX*A, H, W]

    cls_pred_pos = _pred_map_sampling(cls_pred, NUM_CLASS, pos_batch_ids, pos_bbox_ids)
    cls_pred_neg = _pred_map_sampling(cls_pred, NUM_CLASS, neg_batch_ids, neg_bbox_ids)
    reg_pred_pos = _pred_map_sampling(reg_pred, BOX, pos_batch_ids, pos_bbox_ids)

    cls_cat = jnp.concatenate([cls_pred_neg, cls_pred_pos], axis=0)  # [N_NEG+N_POS, C]

    # classification loss: cross entropy (mean)
    logp = jax.nn.log_softmax(cls_cat, axis=-1)
    cls_loss = -jnp.mean(jnp.take_along_axis(logp, cls_labels[:, None], axis=1))

    # regression loss: smooth L1 (mean)
    d = reg_pred_pos - reg_labels
    ad = jnp.abs(d)
    reg_loss = jnp.mean(jnp.where(ad < 1.0, 0.5 * d * d, ad - 0.5))

    tol_loss = cls_loss * CLS_WEIGHT + reg_loss * REG_WEIGHT
    return tol_loss

if __name__ == "__main__":
    import jax
    _d = setup_inputs()
    print(jax.jit(kernel)(*tuple(_d.values())))

</pallas_src>

<mosaic_0001>
#map = affine_map<(d0, d1) -> (0, 0)>
#map1 = affine_map<(d0, d1) -> (0)>
module attributes {stable_mosaic.version = 14 : i64} {
  func.func @body(%arg0: i32, %arg1: i32, %arg2: memref<140800x384xf32, #tpu.memory_space<hbm>>, %arg3: memref<4608xi32, #tpu.memory_space<hbm>>, %arg4: memref<4608x384xf32, #tpu.memory_space<hbm>>, %arg5: memref<144xi32, #tpu.memory_space<vmem>>, %arg6: memref<144x384xf32, #tpu.memory_space<vmem>>, %arg7: memref<!tpu.dma_semaphore, #tpu.memory_space<semaphore_mem>>) attributes {dimension_semantics = [#tpu.dimension_semantics<core_parallel>, #tpu.dimension_semantics<subcore_parallel>], iteration_bounds = array<i64: 2, 16>, scalar_prefetch = 0 : i64, scratch_operands = 3 : i64, tpu.core_type = #tpu.core_type<sc_vector_subcore>, window_params = [{transform_indices = #map}, {transform_indices = #map1}, {transform_indices = #map}]} {
    %mul3A = arith.constant 2 : i32
    %mul3A_0 = arith.muli %arg1, %mul3A : i32
    %add3A = arith.addi %mul3A_0, %arg0 : i32
    %mul3A_1 = arith.constant 144 : i32
    %mul3A_2 = arith.muli %add3A, %mul3A_1 : i32
    "tpu.region"() ({
      %run_scoped3A = tpu.sem_alloc : memref<!tpu.dma_semaphore, #tpu.memory_space<semaphore_mem>>
      %dma_start3A_33 = tpu.memref_slice %arg3[%mul3A_2] : memref<4608xi32, #tpu.memory_space<hbm>> -> memref<144xi32, #tpu.memory_space<hbm>>
      %dma_start3A_34 = tpu.memref_slice %arg3[%mul3A_2] : memref<4608xi32, #tpu.memory_space<hbm>> -> memref<144xi32, #tpu.memory_space<hbm>>
      tpu.enqueue_dma source(%dma_start3A_34 : memref<144xi32, #tpu.memory_space<hbm>>) target(%arg5 : memref<144xi32, #tpu.memory_space<vmem>>) target_semaphore(%run_scoped3A : memref<!tpu.dma_semaphore, #tpu.memory_space<semaphore_mem>>)
      %dma_wait3A_35 = tpu.memref_slice %arg3[%mul3A_2] : memref<4608xi32, #tpu.memory_space<hbm>> -> memref<144xi32, #tpu.memory_space<hbm>>
      %dma_wait3A_36 = tpu.memref_slice %arg3[%mul3A_2] : memref<4608xi32, #tpu.memory_space<hbm>> -> memref<144xi32, #tpu.memory_space<hbm>>
      tpu.wait_dma2 semaphore(%run_scoped3A : memref<!tpu.dma_semaphore, #tpu.memory_space<semaphore_mem>>) src(%dma_wait3A_36 : memref<144xi32, #tpu.memory_space<hbm>>) dst(%arg5 : memref<144xi32, #tpu.memory_space<vmem>>)
      tpu.yield
    }) : () -> ()
    %dma_start3A = arith.constant 0 : i32
    %dma_start3A_3 = arith.constant 0 : i32
    %dma_start3A_4 = tpu.memref_slice %arg6[%dma_start3A, %dma_start3A_3] : memref<144x384xf32, #tpu.memory_space<vmem>> -> memref<128x384xf32, #tpu.memory_space<vmem>>
    %dma_start3A_5 = arith.constant 0 : i32
    %dma_start3A_6 = tpu.memref_slice %arg5[%dma_start3A_5] : memref<144xi32, #tpu.memory_space<vmem>> -> memref<128xi32, #tpu.memory_space<vmem>>
    %dma_start3A_7 = arith.constant 0 : i32
    %dma_start3A_8 = arith.constant 0 : i32
    %dma_start3A_9 = tpu.memref_slice %arg2[%dma_start3A_7, %dma_start3A_8] : memref<140800x384xf32, #tpu.memory_space<hbm>> -> memref<140800x384xf32, #tpu.memory_space<hbm>>
    tpu.enqueue_indirect_dma source(%dma_start3A_9 : memref<140800x384xf32, #tpu.memory_space<hbm>>) target(%dma_start3A_4 : memref<128x384xf32, #tpu.memory_space<vmem>>) offsets(%dma_start3A_6 : memref<128xi32, #tpu.memory_space<vmem>>) semaphore(%arg7 : memref<!tpu.dma_semaphore, #tpu.memory_space<semaphore_mem>>)
    %dma_start3A_10 = arith.constant 128 : i32
    %dma_start3A_11 = arith.constant 0 : i32
    %dma_start3A_12 = tpu.memref_slice %arg6[%dma_start3A_10, %dma_start3A_11] : memref<144x384xf32, #tpu.memory_space<vmem>> -> memref<16x384xf32, #tpu.memory_space<vmem>>
    %dma_start3A_13 = arith.constant 128 : i32
    %dma_start3A_14 = tpu.memref_slice %arg5[%dma_start3A_13] : memref<144xi32, #tpu.memory_space<vmem>> -> memref<16xi32, #tpu.memory_space<vmem>>
    %dma_start3A_15 = arith.constant 0 : i32
    %dma_start3A_16 = arith.constant 0 : i32
    %dma_start3A_17 = tpu.memref_slice %arg2[%dma_start3A_15, %dma_start3A_16] : memref<140800x384xf32, #tpu.memory_space<hbm>> -> memref<140800x384xf32, #tpu.memory_space<hbm>>
    tpu.enqueue_indirect_dma source(%dma_start3A_17 : memref<140800x384xf32, #tpu.memory_space<hbm>>) target(%dma_start3A_12 : memref<16x384xf32, #tpu.memory_space<vmem>>) offsets(%dma_start3A_14 : memref<16xi32, #tpu.memory_space<vmem>>) semaphore(%arg7 : memref<!tpu.dma_semaphore, #tpu.memory_space<semaphore_mem>>)
    %dma_wait3A = arith.constant 0 : i32
    %dma_wait3A_18 = arith.constant 0 : i32
    %dma_wait3A_19 = tpu.memref_slice %arg6[%dma_wait3A, %dma_wait3A_18] : memref<144x384xf32, #tpu.memory_space<vmem>> -> memref<128x384xf32, #tpu.memory_space<vmem>>
    %dma_wait3A_20 = arith.constant 0 : i32
    %dma_wait3A_21 = tpu.memref_slice %arg5[%dma_wait3A_20] : memref<144xi32, #tpu.memory_space<vmem>> -> memref<128xi32, #tpu.memory_space<vmem>>
    %dma_wait3A_22 = arith.constant 0 : i32
    %dma_wait3A_23 = arith.constant 0 : i32
    %dma_wait3A_24 = tpu.memref_slice %arg2[%dma_wait3A_22, %dma_wait3A_23] : memref<140800x384xf32, #tpu.memory_space<hbm>> -> memref<140800x384xf32, #tpu.memory_space<hbm>>
    tpu.wait_indirect_dma semaphore(%arg7 : memref<!tpu.dma_semaphore, #tpu.memory_space<semaphore_mem>>) src(%dma_wait3A_24 : memref<140800x384xf32, #tpu.memory_space<hbm>>) dst(%dma_wait3A_19 : memref<128x384xf32, #tpu.memory_space<vmem>>)
    %dma_wait3A_25 = arith.constant 128 : i32
    %dma_wait3A_26 = arith.constant 0 : i32
    %dma_wait3A_27 = tpu.memref_slice %arg6[%dma_wait3A_25, %dma_wait3A_26] : memref<144x384xf32, #tpu.memory_space<vmem>> -> memref<16x384xf32, #tpu.memory_space<vmem>>
    %dma_wait3A_28 = arith.constant 128 : i32
    %dma_wait3A_29 = tpu.memref_slice %arg5[%dma_wait3A_28] : memref<144xi32, #tpu.memory_space<vmem>> -> memref<16xi32, #tpu.memory_space<vmem>>
    %dma_wait3A_30 = arith.constant 0 : i32
    %dma_wait3A_31 = arith.constant 0 : i32
    %dma_wait3A_32 = tpu.memref_slice %arg2[%dma_wait3A_30, %dma_wait3A_31] : memref<140800x384xf32, #tpu.memory_space<hbm>> -> memref<140800x384xf32, #tpu.memory_space<hbm>>
    tpu.wait_indirect_dma semaphore(%arg7 : memref<!tpu.dma_semaphore, #tpu.memory_space<semaphore_mem>>) src(%dma_wait3A_32 : memref<140800x384xf32, #tpu.memory_space<hbm>>) dst(%dma_wait3A_27 : memref<16x384xf32, #tpu.memory_space<vmem>>)
    "tpu.region"() ({
      %run_scoped3A = tpu.sem_alloc : memref<!tpu.dma_semaphore, #tpu.memory_space<semaphore_mem>>
      %dma_start3A_33 = arith.constant 0 : i32
      %dma_start3A_34 = tpu.memref_slice %arg4[%mul3A_2, %dma_start3A_33] : memref<4608x384xf32, #tpu.memory_space<hbm>> -> memref<144x384xf32, #tpu.memory_space<hbm>>
      %dma_start3A_35 = arith.constant 0 : i32
      %dma_start3A_36 = tpu.memref_slice %arg4[%mul3A_2, %dma_start3A_35] : memref<4608x384xf32, #tpu.memory_space<hbm>> -> memref<144x384xf32, #tpu.memory_space<hbm>>
      tpu.enqueue_dma source(%arg6 : memref<144x384xf32, #tpu.memory_space<vmem>>) target(%dma_start3A_36 : memref<144x384xf32, #tpu.memory_space<hbm>>) target_semaphore(%run_scoped3A : memref<!tpu.dma_semaphore, #tpu.memory_space<semaphore_mem>>)
      %dma_wait3A_37 = arith.constant 0 : i32
      %dma_wait3A_38 = tpu.memref_slice %arg4[%mul3A_2, %dma_wait3A_37] : memref<4608x384xf32, #tpu.memory_space<hbm>> -> memref<144x384xf32, #tpu.memory_space<hbm>>
      %dma_wait3A_39 = arith.constant 0 : i32
      %dma_wait3A_40 = tpu.memref_slice %arg4[%mul3A_2, %dma_wait3A_39] : memref<4608x384xf32, #tpu.memory_space<hbm>> -> memref<144x384xf32, #tpu.memory_space<hbm>>
      tpu.wait_dma2 semaphore(%run_scoped3A : memref<!tpu.dma_semaphore, #tpu.memory_space<semaphore_mem>>) src(%arg6 : memref<144x384xf32, #tpu.memory_space<vmem>>) dst(%dma_wait3A_40 : memref<144x384xf32, #tpu.memory_space<hbm>>)
      tpu.yield
    }) : () -> ()
    return
  }
}

module attributes {stable_mosaic.version = 14 : i64} {
  func.func @_loss_body(%arg0: memref<4608x384xf32, #tpu.memory_space<vmem>>, %arg1: memref<384x128xbf16, #tpu.memory_space<vmem>>, %arg2: memref<1x128xf32, #tpu.memory_space<vmem>>, %arg3: memref<4608x1xi32, #tpu.memory_space<vmem>>, %arg4: memref<4608x1xi32, #tpu.memory_space<vmem>>, %arg5: memref<512x8xf32, #tpu.memory_space<vmem>>, %arg6: memref<1x1xf32, #tpu.memory_space<vmem>>) attributes {dimension_semantics = [], scalar_prefetch = 0 : i64, scratch_operands = 0 : i64, tpu.core_type = #tpu.core_type<tc>} {
    %get3A = arith.constant 0 : index
    %get3A_0 = arith.constant 0 : index
    %get3A_1 = vector.load %arg0[%get3A, %get3A_0] : memref<4608x384xf32, #tpu.memory_space<vmem>>, vector<4608x384xf32>
    %convert_element_type3A = arith.truncf %get3A_1 : vector<4608x384xf32> to vector<4608x384xbf16>
    %get3A_2 = arith.constant 0 : index
    %get3A_3 = arith.constant 0 : index
    %get3A_4 = vector.load %arg1[%get3A_2, %get3A_3] : memref<384x128xbf16, #tpu.memory_space<vmem>>, vector<384x128xbf16>
    %dot_general3A = arith.constant dense<0.000000e+00> : vector<4608x128xf32>
    %dot_general3A_5 = tpu.matmul %convert_element_type3A, %get3A_4, %dot_general3A {dimension_numbers = #tpu.dot_dimension_numbers<[1], [0], [0], [1], [0, 0, 1, 1], [], []>, transpose_lhs_hint = false} : vector<4608x384xbf16>, vector<384x128xbf16>, vector<4608x128xf32> -> vector<4608x128xf32>
    %get3A_6 = arith.constant 0 : index
    %get3A_7 = arith.constant 0 : index
    %get3A_8 = vector.load %arg2[%get3A_6, %get3A_7] : memref<1x128xf32, #tpu.memory_space<vmem>>, vector<1x128xf32>
    %add3A = vector.broadcast %get3A_8 : vector<1x128xf32> to vector<4608x128xf32>
    %add3A_9 = arith.addf %dot_general3A_5, %add3A : vector<4608x128xf32>
    %get3A_10 = arith.constant 0 : index
    %get3A_11 = arith.constant 0 : index
    %get3A_12 = vector.load %arg3[%get3A_10, %get3A_11] : memref<4608x1xi32, #tpu.memory_space<vmem>>, vector<4608x1xi32>
    %mul3A = arith.constant 16 : i32
    %mul3A_13 = vector.broadcast %mul3A : i32 to vector<4608x1xi32>
    %mul3A_14 = arith.muli %get3A_12, %mul3A_13 : vector<4608x1xi32>
    %iota3A = tpu.iota {dimensions = array<i32: 1>} : vector<4608x128xi32>
    %add3A_15 = arith.constant 0 : i32
    %add3A_16 = vector.broadcast %add3A_15 : i32 to vector<4608x1xi32>
    %add3A_17 = arith.addi %mul3A_14, %add3A_16 : vector<4608x1xi32>
    %eq3A = vector.broadcast %add3A_17 : vector<4608x1xi32> to vector<4608x128xi32>
    %eq3A_18 = arith.cmpi eq, %iota3A, %eq3A : vector<4608x128xi32>
    %jit3A = arith.constant 0.000000e+00 : f32
    %broadcast_in_dim3A = vector.broadcast %jit3A : f32 to vector<4608x128xf32>
    %select_n3A = arith.select %eq3A_18, %add3A_9, %broadcast_in_dim3A : vector<4608x128xi1>, vector<4608x128xf32>
    %reduce_sum3A = arith.constant dense<0.000000e+00> : vector<4608xf32>
    %reduce_sum3A_19 = vector.multi_reduction <add>, %select_n3A, %reduce_sum3A [1] : vector<4608x128xf32> to vector<4608xf32>
    %broadcast_in_dim3A_20 = vector.shape_cast %reduce_sum3A_19 : vector<4608xf32> to vector<4608x1xf32>
    %add3A_21 = arith.constant 1 : i32
    %add3A_22 = vector.broadcast %add3A_21 : i32 to vector<4608x1xi32>
    %add3A_23 = arith.addi %mul3A_14, %add3A_22 : vector<4608x1xi32>
    %eq3A_24 = vector.broadcast %add3A_23 : vector<4608x1xi32> to vector<4608x128xi32>
    %eq3A_25 = arith.cmpi eq, %iota3A, %eq3A_24 : vector<4608x128xi32>
    %jit3A_26 = arith.constant 0.000000e+00 : f32
    %broadcast_in_dim3A_27 = vector.broadcast %jit3A_26 : f32 to vector<4608x128xf32>
    %select_n3A_28 = arith.select %eq3A_25, %add3A_9, %broadcast_in_dim3A_27 : vector<4608x128xi1>, vector<4608x128xf32>
    %reduce_sum3A_29 = arith.constant dense<0.000000e+00> : vector<4608xf32>
    %reduce_sum3A_30 = vector.multi_reduction <add>, %select_n3A_28, %reduce_sum3A_29 [1] : vector<4608x128xf32> to vector<4608xf32>
    %broadcast_in_dim3A_31 = vector.shape_cast %reduce_sum3A_30 : vector<4608xf32> to vector<4608x1xf32>
    %add3A_32 = arith.constant 2 : i32
    %add3A_33 = vector.broadcast %add3A_32 : i32 to vector<4608x1xi32>
    %add3A_34 = arith.addi %mul3A_14, %add3A_33 : vector<4608x1xi32>
    %eq3A_35 = vector.broadcast %add3A_34 : vector<4608x1xi32> to vector<4608x128xi32>
    %eq3A_36 = arith.cmpi eq, %iota3A, %eq3A_35 : vector<4608x128xi32>
    %jit3A_37 = arith.constant 0.000000e+00 : f32
    %broadcast_in_dim3A_38 = vector.broadcast %jit3A_37 : f32 to vector<4608x128xf32>
    %select_n3A_39 = arith.select %eq3A_36, %add3A_9, %broadcast_in_dim3A_38 : vector<4608x128xi1>, vector<4608x128xf32>
    %reduce_sum3A_40 = arith.constant dense<0.000000e+00> : vector<4608xf32>
    %reduce_sum3A_41 = vector.multi_reduction <add>, %select_n3A_39, %reduce_sum3A_40 [1] : vector<4608x128xf32> to vector<4608xf32>
    %broadcast_in_dim3A_42 = vector.shape_cast %reduce_sum3A_41 : vector<4608xf32> to vector<4608x1xf32>
    %add3A_43 = arith.constant 3 : i32
    %add3A_44 = vector.broadcast %add3A_43 : i32 to vector<4608x1xi32>
    %add3A_45 = arith.addi %mul3A_14, %add3A_44 : vector<4608x1xi32>
    %eq3A_46 = vector.broadcast %add3A_45 : vector<4608x1xi32> to vector<4608x128xi32>
    %eq3A_47 = arith.cmpi eq, %iota3A, %eq3A_46 : vector<4608x128xi32>
    %jit3A_48 = arith.constant 0.000000e+00 : f32
    %broadcast_in_dim3A_49 = vector.broadcast %jit3A_48 : f32 to vector<4608x128xf32>
    %select_n3A_50 = arith.select %eq3A_47, %add3A_9, %broadcast_in_dim3A_49 : vector<4608x128xi1>, vector<4608x128xf32>
    %reduce_sum3A_51 = arith.constant dense<0.000000e+00> : vector<4608xf32>
    %reduce_sum3A_52 = vector.multi_reduction <add>, %select_n3A_50, %reduce_sum3A_51 [1] : vector<4608x128xf32> to vector<4608xf32>
    %broadcast_in_dim3A_53 = vector.shape_cast %reduce_sum3A_52 : vector<4608xf32> to vector<4608x1xf32>
    %max3A = arith.maximumf %broadcast_in_dim3A_20, %broadcast_in_dim3A_31 : vector<4608x1xf32>
    %max3A_54 = arith.maximumf %broadcast_in_dim3A_42, %broadcast_in_dim3A_53 : vector<4608x1xf32>
    %max3A_55 = arith.maximumf %max3A, %max3A_54 : vector<4608x1xf32>
    %sub3A = arith.subf %broadcast_in_dim3A_20, %max3A_55 : vector<4608x1xf32>
    %exp3A = math.exp %sub3A : vector<4608x1xf32>
    %sub3A_56 = arith.subf %broadcast_in_dim3A_31, %max3A_55 : vector<4608x1xf32>
    %exp3A_57 = math.exp %sub3A_56 : vector<4608x1xf32>
    %add3A_58 = arith.addf %exp3A, %exp3A_57 : vector<4608x1xf32>
    %sub3A_59 = arith.subf %broadcast_in_dim3A_42, %max3A_55 : vector<4608x1xf32>
    %exp3A_60 = math.exp %sub3A_59 : vector<4608x1xf32>
    %add3A_61 = arith.addf %add3A_58, %exp3A_60 : vector<4608x1xf32>
    %sub3A_62 = arith.subf %broadcast_in_dim3A_53, %max3A_55 : vector<4608x1xf32>
    %exp3A_63 = math.exp %sub3A_62 : vector<4608x1xf32>
    %add3A_64 = arith.addf %add3A_61, %exp3A_63 : vector<4608x1xf32>
    %log3A = math.log %add3A_64 : vector<4608x1xf32>
    %add3A_65 = arith.addf %log3A, %max3A_55 : vector<4608x1xf32>
    %get3A_66 = arith.constant 0 : index
    %get3A_67 = arith.constant 0 : index
    %get3A_68 = vector.load %arg4[%get3A_66, %get3A_67] : memref<4608x1xi32, #tpu.memory_space<vmem>>, vector<4608x1xi32>
    %eq3A_69 = arith.constant 0 : i32
    %eq3A_70 = vector.broadcast %eq3A_69 : i32 to vector<4608x1xi32>
    %eq3A_71 = arith.cmpi eq, %get3A_68, %eq3A_70 : vector<4608x1xi32>
    %jit3A_72 = arith.constant 0.000000e+00 : f32
    %broadcast_in_dim3A_73 = vector.broadcast %jit3A_72 : f32 to vector<4608x1xf32>
    %select_n3A_74 = arith.select %eq3A_71, %broadcast_in_dim3A_20, %broadcast_in_dim3A_73 : vector<4608x1xi1>, vector<4608x1xf32>
    %add3A_75 = arith.constant 0.000000e+00 : f32
    %add3A_76 = vector.broadcast %add3A_75 : f32 to vector<4608x1xf32>
    %add3A_77 = arith.addf %add3A_76, %select_n3A_74 : vector<4608x1xf32>
    %eq3A_78 = arith.constant 1 : i32
    %eq3A_79 = vector.broadcast %eq3A_78 : i32 to vector<4608x1xi32>
    %eq3A_80 = arith.cmpi eq, %get3A_68, %eq3A_79 : vector<4608x1xi32>
    %jit3A_81 = arith.constant 0.000000e+00 : f32
    %broadcast_in_dim3A_82 = vector.broadcast %jit3A_81 : f32 to vector<4608x1xf32>
    %select_n3A_83 = arith.select %eq3A_80, %broadcast_in_dim3A_31, %broadcast_in_dim3A_82 : vector<4608x1xi1>, vector<4608x1xf32>
    %add3A_84 = arith.addf %add3A_77, %select_n3A_83 : vector<4608x1xf32>
    %eq3A_85 = arith.constant 2 : i32
    %eq3A_86 = vector.broadcast %eq3A_85 : i32 to vector<4608x1xi32>
    %eq3A_87 = arith.cmpi eq, %get3A_68, %eq3A_86 : vector<4608x1xi32>
    %jit3A_88 = arith.constant 0.000000e+00 : f32
    %broadcast_in_dim3A_89 = vector.broadcast %jit3A_88 : f32 to vector<4608x1xf32>
    %select_n3A_90 = arith.select %eq3A_87, %broadcast_in_dim3A_42, %broadcast_in_dim3A_89 : vector<4608x1xi1>, vector<4608x1xf32>
    %add3A_91 = arith.addf %add3A_84, %select_n3A_90 : vector<4608x1xf32>
    %eq3A_92 = arith.constant 3 : i32
    %eq3A_93 = vector.broadcast %eq3A_92 : i32 to vector<4608x1xi32>
    %eq3A_94 = arith.cmpi eq, %get3A_68, %eq3A_93 : vector<4608x1xi32>
    %jit3A_95 = arith.constant 0.000000e+00 : f32
    %broadcast_in_dim3A_96 = vector.broadcast %jit3A_95 : f32 to vector<4608x1xf32>
    %select_n3A_97 = arith.select %eq3A_94, %broadcast_in_dim3A_53, %broadcast_in_dim3A_96 : vector<4608x1xi1>, vector<4608x1xf32>
    %add3A_98 = arith.addf %add3A_91, %select_n3A_97 : vector<4608x1xf32>
    %sub3A_99 = arith.subf %add3A_65, %add3A_98 : vector<4608x1xf32>
    %reduce_sum3A_100 = vector.shape_cast %sub3A_99 : vector<4608x1xf32> to vector<1x4608x1xf32>
    %reduce_sum3A_101 = arith.constant dense<0.000000e+00> : vector<1xf32>
    %reduce_sum3A_102 = vector.multi_reduction <add>, %reduce_sum3A_100, %reduce_sum3A_101 [1, 2] : vector<1x4608x1xf32> to vector<1xf32>
    %reduce_sum3A_103 = vector.shape_cast %reduce_sum3A_102 : vector<1xf32> to vector<1x1x1xf32>
    %reduce_sum3A_104 = vector.extract %reduce_sum3A_103[0, 0, 0] : f32 from vector<1x1x1xf32>
    %div3A = arith.constant 4.608000e+03 : f32
    %div3A_105 = arith.divf %reduce_sum3A_104, %div3A : f32
    %slice3A = vector.extract_strided_slice %add3A_9 {offsets = [4096, 0], sizes = [512, 128], strides = [1, 1]} : vector<4608x128xf32> to vector<512x128xf32>
    %get3A_106 = arith.constant 0 : index
    %get3A_107 = arith.constant 0 : index
    %get3A_108 = vector.load %arg3[%get3A_106, %get3A_107] : memref<4608x1xi32, #tpu.memory_space<vmem>>, vector<4608x1xi32>
    %slice3A_109 = vector.extract_strided_slice %get3A_108 {offsets = [4096, 0], sizes = [512, 1], strides = [1, 1]} : vector<4608x1xi32> to vector<512x1xi32>
    %mul3A_110 = arith.constant 16 : i32
    %mul3A_111 = vector.broadcast %mul3A_110 : i32 to vector<512x1xi32>
    %mul3A_112 = arith.muli %slice3A_109, %mul3A_111 : vector<512x1xi32>
    %iota3A_113 = tpu.iota {dimensions = array<i32: 1>} : vector<512x128xi32>
    %add3A_114 = arith.constant 4 : i32
    %add3A_115 = vector.broadcast %add3A_114 : i32 to vector<512x1xi32>
    %add3A_116 = arith.addi %mul3A_112, %add3A_115 : vector<512x1xi32>
    %add3A_117 = arith.constant 0 : i32
    %add3A_118 = vector.broadcast %add3A_117 : i32 to vector<512x1xi32>
    %add3A_119 = arith.addi %add3A_116, %add3A_118 : vector<512x1xi32>
    %eq3A_120 = vector.broadcast %add3A_119 : vector<512x1xi32> to vector<512x128xi32>
    %eq3A_121 = arith.cmpi eq, %iota3A_113, %eq3A_120 : vector<512x128xi32>
    %jit3A_122 = arith.constant 0.000000e+00 : f32
    %broadcast_in_dim3A_123 = vector.broadcast %jit3A_122 : f32 to vector<512x128xf32>
    %select_n3A_124 = arith.select %eq3A_121, %slice3A, %broadcast_in_dim3A_123 : vector<512x128xi1>, vector<512x128xf32>
    %reduce_sum3A_125 = arith.constant dense<0.000000e+00> : vector<512xf32>
    %reduce_sum3A_126 = vector.multi_reduction <add>, %select_n3A_124, %reduce_sum3A_125 [1] : vector<512x128xf32> to vector<512xf32>
    %broadcast_in_dim3A_127 = vector.shape_cast %reduce_sum3A_126 : vector<512xf32> to vector<512x1xf32>
    %get3A_128 = arith.constant 0 : index
    %get3A_129 = arith.constant 0 : index
    %get3A_130 = vector.load %arg5[%get3A_128, %get3A_129] : memref<512x8xf32, #tpu.memory_space<vmem>>, vector<512x8xf32>
    %slice3A_131 = vector.extract_strided_slice %get3A_130 {offsets = [0, 0], sizes = [512, 1], strides = [1, 1]} : vector<512x8xf32> to vector<512x1xf32>
    %sub3A_132 = arith.subf %broadcast_in_dim3A_127, %slice3A_131 : vector<512x1xf32>
    %abs3A = math.absf %sub3A_132 : vector<512x1xf32>
    %lt3A = arith.constant 1.000000e+00 : f32
    %lt3A_133 = vector.broadcast %lt3A : f32 to vector<512x1xf32>
    %lt3A_134 = arith.cmpf olt, %abs3A, %lt3A_133 : vector<512x1xf32>
    %mul3A_135 = arith.constant 5.000000e-01 : f32
    %mul3A_136 = vector.broadcast %mul3A_135 : f32 to vector<512x1xf32>
    %mul3A_137 = arith.mulf %mul3A_136, %sub3A_132 : vector<512x1xf32>
    %mul3A_138 = arith.mulf %mul3A_137, %sub3A_132 : vector<512x1xf32>
    %sub3A_139 = arith.constant 5.000000e-01 : f32
    %sub3A_140 = vector.broadcast %sub3A_139 : f32 to vector<512x1xf32>
    %sub3A_141 = arith.subf %abs3A, %sub3A_140 : vector<512x1xf32>
    %select_n3A_142 = arith.select %lt3A_134, %mul3A_138, %sub3A_141 : vector<512x1xi1>, vector<512x1xf32>
    %reduce_sum3A_143 = vector.shape_cast %select_n3A_142 : vector<512x1xf32> to vector<1x512x1xf32>
    %reduce_sum3A_144 = arith.constant dense<0.000000e+00> : vector<1xf32>
    %reduce_sum3A_145 = vector.multi_reduction <add>, %reduce_sum3A_143, %reduce_sum3A_144 [1, 2] : vector<1x512x1xf32> to vector<1xf32>
    %reduce_sum3A_146 = vector.shape_cast %reduce_sum3A_145 : vector<1xf32> to vector<1x1x1xf32>
    %reduce_sum3A_147 = vector.extract %reduce_sum3A_146[0, 0, 0] : f32 from vector<1x1x1xf32>
    %add3A_148 = arith.constant 0.000000e+00 : f32
    %add3A_149 = arith.addf %add3A_148, %reduce_sum3A_147 : f32
    %add3A_150 = arith.constant 4 : i32
    %add3A_151 = vector.broadcast %add3A_150 : i32 to vector<512x1xi32>
    %add3A_152 = arith.addi %mul3A_112, %add3A_151 : vector<512x1xi32>
    %add3A_153 = arith.constant 1 : i32
    %add3A_154 = vector.broadcast %add3A_153 : i32 to vector<512x1xi32>
    %add3A_155 = arith.addi %add3A_152, %add3A_154 : vector<512x1xi32>
    %eq3A_156 = vector.broadcast %add3A_155 : vector<512x1xi32> to vector<512x128xi32>
    %eq3A_157 = arith.cmpi eq, %iota3A_113, %eq3A_156 : vector<512x128xi32>
    %jit3A_158 = arith.constant 0.000000e+00 : f32
    %broadcast_in_dim3A_159 = vector.broadcast %jit3A_158 : f32 to vector<512x128xf32>
    %select_n3A_160 = arith.select %eq3A_157, %slice3A, %broadcast_in_dim3A_159 : vector<512x128xi1>, vector<512x128xf32>
    %reduce_sum3A_161 = arith.constant dense<0.000000e+00> : vector<512xf32>
    %reduce_sum3A_162 = vector.multi_reduction <add>, %select_n3A_160, %reduce_sum3A_161 [1] : vector<512x128xf32> to vector<512xf32>
    %broadcast_in_dim3A_163 = vector.shape_cast %reduce_sum3A_162 : vector<512xf32> to vector<512x1xf32>
    %get3A_164 = arith.constant 0 : index
    %get3A_165 = arith.constant 0 : index
    %get3A_166 = vector.load %arg5[%get3A_164, %get3A_165] : memref<512x8xf32, #tpu.memory_space<vmem>>, vector<512x8xf32>
    %slice3A_167 = vector.extract_strided_slice %get3A_166 {offsets = [0, 1], sizes = [512, 1], strides = [1, 1]} : vector<512x8xf32> to vector<512x1xf32>
    %sub3A_168 = arith.subf %broadcast_in_dim3A_163, %slice3A_167 : vector<512x1xf32>
    %abs3A_169 = math.absf %sub3A_168 : vector<512x1xf32>
    %lt3A_170 = arith.constant 1.000000e+00 : f32
    %lt3A_171 = vector.broadcast %lt3A_170 : f32 to vector<512x1xf32>
    %lt3A_172 = arith.cmpf olt, %abs3A_169, %lt3A_171 : vector<512x1xf32>
    %mul3A_173 = arith.constant 5.000000e-01 : f32
    %mul3A_174 = vector.broadcast %mul3A_173 : f32 to vector<512x1xf32>
    %mul3A_175 = arith.mulf %mul3A_174, %sub3A_168 : vector<512x1xf32>
    %mul3A_176 = arith.mulf %mul3A_175, %sub3A_168 : vector<512x1xf32>
    %sub3A_177 = arith.constant 5.000000e-01 : f32
    %sub3A_178 = vector.broadcast %sub3A_177 : f32 to vector<512x1xf32>
    %sub3A_179 = arith.subf %abs3A_169, %sub3A_178 : vector<512x1xf32>
    %select_n3A_180 = arith.select %lt3A_172, %mul3A_176, %sub3A_179 : vector<512x1xi1>, vector<512x1xf32>
    %reduce_sum3A_181 = vector.shape_cast %select_n3A_180 : vector<512x1xf32> to vector<1x512x1xf32>
    %reduce_sum3A_182 = arith.constant dense<0.000000e+00> : vector<1xf32>
    %reduce_sum3A_183 = vector.multi_reduction <add>, %reduce_sum3A_181, %reduce_sum3A_182 [1, 2] : vector<1x512x1xf32> to vector<1xf32>
    %reduce_sum3A_184 = vector.shape_cast %reduce_sum3A_183 : vector<1xf32> to vector<1x1x1xf32>
    %reduce_sum3A_185 = vector.extract %reduce_sum3A_184[0, 0, 0] : f32 from vector<1x1x1xf32>
    %add3A_186 = arith.addf %add3A_149, %reduce_sum3A_185 : f32
    %add3A_187 = arith.constant 4 : i32
    %add3A_188 = vector.broadcast %add3A_187 : i32 to vector<512x1xi32>
    %add3A_189 = arith.addi %mul3A_112, %add3A_188 : vector<512x1xi32>
    %add3A_190 = arith.constant 2 : i32
    %add3A_191 = vector.broadcast %add3A_190 : i32 to vector<512x1xi32>
    %add3A_192 = arith.addi %add3A_189, %add3A_191 : vector<512x1xi32>
    %eq3A_193 = vector.broadcast %add3A_192 : vector<512x1xi32> to vector<512x128xi32>
    %eq3A_194 = arith.cmpi eq, %iota3A_113, %eq3A_193 : vector<512x128xi32>
    %jit3A_195 = arith.constant 0.000000e+00 : f32
    %broadcast_in_dim3A_196 = vector.broadcast %jit3A_195 : f32 to vector<512x128xf32>
    %select_n3A_197 = arith.select %eq3A_194, %slice3A, %broadcast_in_dim3A_196 : vector<512x128xi1>, vector<512x128xf32>
    %reduce_sum3A_198 = arith.constant dense<0.000000e+00> : vector<512xf32>
    %reduce_sum3A_199 = vector.multi_reduction <add>, %select_n3A_197, %reduce_sum3A_198 [1] : vector<512x128xf32> to vector<512xf32>
    %broadcast_in_dim3A_200 = vector.shape_cast %reduce_sum3A_199 : vector<512xf32> to vector<512x1xf32>
    %get3A_201 = arith.constant 0 : index
    %get3A_202 = arith.constant 0 : index
    %get3A_203 = vector.load %arg5[%get3A_201, %get3A_202] : memref<512x8xf32, #tpu.memory_space<vmem>>, vector<512x8xf32>
    %slice3A_204 = vector.extract_strided_slice %get3A_203 {offsets = [0, 2], sizes = [512, 1], strides = [1, 1]} : vector<512x8xf32> to vector<512x1xf32>
    %sub3A_205 = arith.subf %broadcast_in_dim3A_200, %slice3A_204 : vector<512x1xf32>
    %abs3A_206 = math.absf %sub3A_205 : vector<512x1xf32>
    %lt3A_207 = arith.constant 1.000000e+00 : f32
    %lt3A_208 = vector.broadcast %lt3A_207 : f32 to vector<512x1xf32>
    %lt3A_209 = arith.cmpf olt, %abs3A_206, %lt3A_208 : vector<512x1xf32>
    %mul3A_210 = arith.constant 5.000000e-01 : f32
    %mul3A_211 = vector.broadcast %mul3A_210 : f32 to vector<512x1xf32>
    %mul3A_212 = arith.mulf %mul3A_211, %sub3A_205 : vector<512x1xf32>
    %mul3A_213 = arith.mulf %mul3A_212, %sub3A_205 : vector<512x1xf32>
    %sub3A_214 = arith.constant 5.000000e-01 : f32
    %sub3A_215 = vector.broadcast %sub3A_214 : f32 to vector<512x1xf32>
    %sub3A_216 = arith.subf %abs3A_206, %sub3A_215 : vector<512x1xf32>
    %select_n3A_217 = arith.select %lt3A_209, %mul3A_213, %sub3A_216 : vector<512x1xi1>, vector<512x1xf32>
    %reduce_sum3A_218 = vector.shape_cast %select_n3A_217 : vector<512x1xf32> to vector<1x512x1xf32>
    %reduce_sum3A_219 = arith.constant dense<0.000000e+00> : vector<1xf32>
    %reduce_sum3A_220 = vector.multi_reduction <add>, %reduce_sum3A_218, %reduce_sum3A_219 [1, 2] : vector<1x512x1xf32> to vector<1xf32>
    %reduce_sum3A_221 = vector.shape_cast %reduce_sum3A_220 : vector<1xf32> to vector<1x1x1xf32>
    %reduce_sum3A_222 = vector.extract %reduce_sum3A_221[0, 0, 0] : f32 from vector<1x1x1xf32>
    %add3A_223 = arith.addf %add3A_186, %reduce_sum3A_222 : f32
    %add3A_224 = arith.constant 4 : i32
    %add3A_225 = vector.broadcast %add3A_224 : i32 to vector<512x1xi32>
    %add3A_226 = arith.addi %mul3A_112, %add3A_225 : vector<512x1xi32>
    %add3A_227 = arith.constant 3 : i32
    %add3A_228 = vector.broadcast %add3A_227 : i32 to vector<512x1xi32>
    %add3A_229 = arith.addi %add3A_226, %add3A_228 : vector<512x1xi32>
    %eq3A_230 = vector.broadcast %add3A_229 : vector<512x1xi32> to vector<512x128xi32>
    %eq3A_231 = arith.cmpi eq, %iota3A_113, %eq3A_230 : vector<512x128xi32>
    %jit3A_232 = arith.constant 0.000000e+00 : f32
    %broadcast_in_dim3A_233 = vector.broadcast %jit3A_232 : f32 to vector<512x128xf32>
    %select_n3A_234 = arith.select %eq3A_231, %slice3A, %broadcast_in_dim3A_233 : vector<512x128xi1>, vector<512x128xf32>
    %reduce_sum3A_235 = arith.constant dense<0.000000e+00> : vector<512xf32>
    %reduce_sum3A_236 = vector.multi_reduction <add>, %select_n3A_234, %reduce_sum3A_235 [1] : vector<512x128xf32> to vector<512xf32>
    %broadcast_in_dim3A_237 = vector.shape_cast %reduce_sum3A_236 : vector<512xf32> to vector<512x1xf32>
    %get3A_238 = arith.constant 0 : index
    %get3A_239 = arith.constant 0 : index
    %get3A_240 = vector.load %arg5[%get3A_238, %get3A_239] : memref<512x8xf32, #tpu.memory_space<vmem>>, vector<512x8xf32>
    %slice3A_241 = vector.extract_strided_slice %get3A_240 {offsets = [0, 3], sizes = [512, 1], strides = [1, 1]} : vector<512x8xf32> to vector<512x1xf32>
    %sub3A_242 = arith.subf %broadcast_in_dim3A_237, %slice3A_241 : vector<512x1xf32>
    %abs3A_243 = math.absf %sub3A_242 : vector<512x1xf32>
    %lt3A_244 = arith.constant 1.000000e+00 : f32
    %lt3A_245 = vector.broadcast %lt3A_244 : f32 to vector<512x1xf32>
    %lt3A_246 = arith.cmpf olt, %abs3A_243, %lt3A_245 : vector<512x1xf32>
    %mul3A_247 = arith.constant 5.000000e-01 : f32
    %mul3A_248 = vector.broadcast %mul3A_247 : f32 to vector<512x1xf32>
    %mul3A_249 = arith.mulf %mul3A_248, %sub3A_242 : vector<512x1xf32>
    %mul3A_250 = arith.mulf %mul3A_249, %sub3A_242 : vector<512x1xf32>
    %sub3A_251 = arith.constant 5.000000e-01 : f32
    %sub3A_252 = vector.broadcast %sub3A_251 : f32 to vector<512x1xf32>
    %sub3A_253 = arith.subf %abs3A_243, %sub3A_252 : vector<512x1xf32>
    %select_n3A_254 = arith.select %lt3A_246, %mul3A_250, %sub3A_253 : vector<512x1xi1>, vector<512x1xf32>
    %reduce_sum3A_255 = vector.shape_cast %select_n3A_254 : vector<512x1xf32> to vector<1x512x1xf32>
    %reduce_sum3A_256 = arith.constant dense<0.000000e+00> : vector<1xf32>
    %reduce_sum3A_257 = vector.multi_reduction <add>, %reduce_sum3A_255, %reduce_sum3A_256 [1, 2] : vector<1x512x1xf32> to vector<1xf32>
    %reduce_sum3A_258 = vector.shape_cast %reduce_sum3A_257 : vector<1xf32> to vector<1x1x1xf32>
    %reduce_sum3A_259 = vector.extract %reduce_sum3A_258[0, 0, 0] : f32 from vector<1x1x1xf32>
    %add3A_260 = arith.addf %add3A_223, %reduce_sum3A_259 : f32
    %add3A_261 = arith.constant 4 : i32
    %add3A_262 = vector.broadcast %add3A_261 : i32 to vector<512x1xi32>
    %add3A_263 = arith.addi %mul3A_112, %add3A_262 : vector<512x1xi32>
    %add3A_264 = arith.constant 4 : i32
    %add3A_265 = vector.broadcast %add3A_264 : i32 to vector<512x1xi32>
    %add3A_266 = arith.addi %add3A_263, %add3A_265 : vector<512x1xi32>
    %eq3A_267 = vector.broadcast %add3A_266 : vector<512x1xi32> to vector<512x128xi32>
    %eq3A_268 = arith.cmpi eq, %iota3A_113, %eq3A_267 : vector<512x128xi32>
    %jit3A_269 = arith.constant 0.000000e+00 : f32
    %broadcast_in_dim3A_270 = vector.broadcast %jit3A_269 : f32 to vector<512x128xf32>
    %select_n3A_271 = arith.select %eq3A_268, %slice3A, %broadcast_in_dim3A_270 : vector<512x128xi1>, vector<512x128xf32>
    %reduce_sum3A_272 = arith.constant dense<0.000000e+00> : vector<512xf32>
    %reduce_sum3A_273 = vector.multi_reduction <add>, %select_n3A_271, %reduce_sum3A_272 [1] : vector<512x128xf32> to vector<512xf32>
    %broadcast_in_dim3A_274 = vector.shape_cast %reduce_sum3A_273 : vector<512xf32> to vector<512x1xf32>
    %get3A_275 = arith.constant 0 : index
    %get3A_276 = arith.constant 0 : index
    %get3A_277 = vector.load %arg5[%get3A_275, %get3A_276] : memref<512x8xf32, #tpu.memory_space<vmem>>, vector<512x8xf32>
    %slice3A_278 = vector.extract_strided_slice %get3A_277 {offsets = [0, 4], sizes = [512, 1], strides = [1, 1]} : vector<512x8xf32> to vector<512x1xf32>
    %sub3A_279 = arith.subf %broadcast_in_dim3A_274, %slice3A_278 : vector<512x1xf32>
    %abs3A_280 = math.absf %sub3A_279 : vector<512x1xf32>
    %lt3A_281 = arith.constant 1.000000e+00 : f32
    %lt3A_282 = vector.broadcast %lt3A_281 : f32 to vector<512x1xf32>
    %lt3A_283 = arith.cmpf olt, %abs3A_280, %lt3A_282 : vector<512x1xf32>
    %mul3A_284 = arith.constant 5.000000e-01 : f32
    %mul3A_285 = vector.broadcast %mul3A_284 : f32 to vector<512x1xf32>
    %mul3A_286 = arith.mulf %mul3A_285, %sub3A_279 : vector<512x1xf32>
    %mul3A_287 = arith.mulf %mul3A_286, %sub3A_279 : vector<512x1xf32>
    %sub3A_288 = arith.constant 5.000000e-01 : f32
    %sub3A_289 = vector.broadcast %sub3A_288 : f32 to vector<512x1xf32>
    %sub3A_290 = arith.subf %abs3A_280, %sub3A_289 : vector<512x1xf32>
    %select_n3A_291 = arith.select %lt3A_283, %mul3A_287, %sub3A_290 : vector<512x1xi1>, vector<512x1xf32>
    %reduce_sum3A_292 = vector.shape_cast %select_n3A_291 : vector<512x1xf32> to vector<1x512x1xf32>
    %reduce_sum3A_293 = arith.constant dense<0.000000e+00> : vector<1xf32>
    %reduce_sum3A_294 = vector.multi_reduction <add>, %reduce_sum3A_292, %reduce_sum3A_293 [1, 2] : vector<1x512x1xf32> to vector<1xf32>
    %reduce_sum3A_295 = vector.shape_cast %reduce_sum3A_294 : vector<1xf32> to vector<1x1x1xf32>
    %reduce_sum3A_296 = vector.extract %reduce_sum3A_295[0, 0, 0] : f32 from vector<1x1x1xf32>
    %add3A_297 = arith.addf %add3A_260, %reduce_sum3A_296 : f32
    %add3A_298 = arith.constant 4 : i32
    %add3A_299 = vector.broadcast %add3A_298 : i32 to vector<512x1xi32>
    %add3A_300 = arith.addi %mul3A_112, %add3A_299 : vector<512x1xi32>
    %add3A_301 = arith.constant 5 : i32
    %add3A_302 = vector.broadcast %add3A_301 : i32 to vector<512x1xi32>
    %add3A_303 = arith.addi %add3A_300, %add3A_302 : vector<512x1xi32>
    %eq3A_304 = vector.broadcast %add3A_303 : vector<512x1xi32> to vector<512x128xi32>
    %eq3A_305 = arith.cmpi eq, %iota3A_113, %eq3A_304 : vector<512x128xi32>
    %jit3A_306 = arith.constant 0.000000e+00 : f32
    %broadcast_in_dim3A_307 = vector.broadcast %jit3A_306 : f32 to vector<512x128xf32>
    %select_n3A_308 = arith.select %eq3A_305, %slice3A, %broadcast_in_dim3A_307 : vector<512x128xi1>, vector<512x128xf32>
    %reduce_sum3A_309 = arith.constant dense<0.000000e+00> : vector<512xf32>
    %reduce_sum3A_310 = vector.multi_reduction <add>, %select_n3A_308, %reduce_sum3A_309 [1] : vector<512x128xf32> to vector<512xf32>
    %broadcast_in_dim3A_311 = vector.shape_cast %reduce_sum3A_310 : vector<512xf32> to vector<512x1xf32>
    %get3A_312 = arith.constant 0 : index
    %get3A_313 = arith.constant 0 : index
    %get3A_314 = vector.load %arg5[%get3A_312, %get3A_313] : memref<512x8xf32, #tpu.memory_space<vmem>>, vector<512x8xf32>
    %slice3A_315 = vector.extract_strided_slice %get3A_314 {offsets = [0, 5], sizes = [512, 1], strides = [1, 1]} : vector<512x8xf32> to vector<512x1xf32>
    %sub3A_316 = arith.subf %broadcast_in_dim3A_311, %slice3A_315 : vector<512x1xf32>
    %abs3A_317 = math.absf %sub3A_316 : vector<512x1xf32>
    %lt3A_318 = arith.constant 1.000000e+00 : f32
    %lt3A_319 = vector.broadcast %lt3A_318 : f32 to vector<512x1xf32>
    %lt3A_320 = arith.cmpf olt, %abs3A_317, %lt3A_319 : vector<512x1xf32>
    %mul3A_321 = arith.constant 5.000000e-01 : f32
    %mul3A_322 = vector.broadcast %mul3A_321 : f32 to vector<512x1xf32>
    %mul3A_323 = arith.mulf %mul3A_322, %sub3A_316 : vector<512x1xf32>
    %mul3A_324 = arith.mulf %mul3A_323, %sub3A_316 : vector<512x1xf32>
    %sub3A_325 = arith.constant 5.000000e-01 : f32
    %sub3A_326 = vector.broadcast %sub3A_325 : f32 to vector<512x1xf32>
    %sub3A_327 = arith.subf %abs3A_317, %sub3A_326 : vector<512x1xf32>
    %select_n3A_328 = arith.select %lt3A_320, %mul3A_324, %sub3A_327 : vector<512x1xi1>, vector<512x1xf32>
    %reduce_sum3A_329 = vector.shape_cast %select_n3A_328 : vector<512x1xf32> to vector<1x512x1xf32>
    %reduce_sum3A_330 = arith.constant dense<0.000000e+00> : vector<1xf32>
    %reduce_sum3A_331 = vector.multi_reduction <add>, %reduce_sum3A_329, %reduce_sum3A_330 [1, 2] : vector<1x512x1xf32> to vector<1xf32>
    %reduce_sum3A_332 = vector.shape_cast %reduce_sum3A_331 : vector<1xf32> to vector<1x1x1xf32>
    %reduce_sum3A_333 = vector.extract %reduce_sum3A_332[0, 0, 0] : f32 from vector<1x1x1xf32>
    %add3A_334 = arith.addf %add3A_297, %reduce_sum3A_333 : f32
    %add3A_335 = arith.constant 4 : i32
    %add3A_336 = vector.broadcast %add3A_335 : i32 to vector<512x1xi32>
    %add3A_337 = arith.addi %mul3A_112, %add3A_336 : vector<512x1xi32>
    %add3A_338 = arith.constant 6 : i32
    %add3A_339 = vector.broadcast %add3A_338 : i32 to vector<512x1xi32>
    %add3A_340 = arith.addi %add3A_337, %add3A_339 : vector<512x1xi32>
    %eq3A_341 = vector.broadcast %add3A_340 : vector<512x1xi32> to vector<512x128xi32>
    %eq3A_342 = arith.cmpi eq, %iota3A_113, %eq3A_341 : vector<512x128xi32>
    %jit3A_343 = arith.constant 0.000000e+00 : f32
    %broadcast_in_dim3A_344 = vector.broadcast %jit3A_343 : f32 to vector<512x128xf32>
    %select_n3A_345 = arith.select %eq3A_342, %slice3A, %broadcast_in_dim3A_344 : vector<512x128xi1>, vector<512x128xf32>
    %reduce_sum3A_346 = arith.constant dense<0.000000e+00> : vector<512xf32>
    %reduce_sum3A_347 = vector.multi_reduction <add>, %select_n3A_345, %reduce_sum3A_346 [1] : vector<512x128xf32> to vector<512xf32>
    %broadcast_in_dim3A_348 = vector.shape_cast %reduce_sum3A_347 : vector<512xf32> to vector<512x1xf32>
    %get3A_349 = arith.constant 0 : index
    %get3A_350 = arith.constant 0 : index
    %get3A_351 = vector.load %arg5[%get3A_349, %get3A_350] : memref<512x8xf32, #tpu.memory_space<vmem>>, vector<512x8xf32>
    %slice3A_352 = vector.extract_strided_slice %get3A_351 {offsets = [0, 6], sizes = [512, 1], strides = [1, 1]} : vector<512x8xf32> to vector<512x1xf32>
    %sub3A_353 = arith.subf %broadcast_in_dim3A_348, %slice3A_352 : vector<512x1xf32>
    %abs3A_354 = math.absf %sub3A_353 : vector<512x1xf32>
    %lt3A_355 = arith.constant 1.000000e+00 : f32
    %lt3A_356 = vector.broadcast %lt3A_355 : f32 to vector<512x1xf32>
    %lt3A_357 = arith.cmpf olt, %abs3A_354, %lt3A_356 : vector<512x1xf32>
    %mul3A_358 = arith.constant 5.000000e-01 : f32
    %mul3A_359 = vector.broadcast %mul3A_358 : f32 to vector<512x1xf32>
    %mul3A_360 = arith.mulf %mul3A_359, %sub3A_353 : vector<512x1xf32>
    %mul3A_361 = arith.mulf %mul3A_360, %sub3A_353 : vector<512x1xf32>
    %sub3A_362 = arith.constant 5.000000e-01 : f32
    %sub3A_363 = vector.broadcast %sub3A_362 : f32 to vector<512x1xf32>
    %sub3A_364 = arith.subf %abs3A_354, %sub3A_363 : vector<512x1xf32>
    %select_n3A_365 = arith.select %lt3A_357, %mul3A_361, %sub3A_364 : vector<512x1xi1>, vector<512x1xf32>
    %reduce_sum3A_366 = vector.shape_cast %select_n3A_365 : vector<512x1xf32> to vector<1x512x1xf32>
    %reduce_sum3A_367 = arith.constant dense<0.000000e+00> : vector<1xf32>
    %reduce_sum3A_368 = vector.multi_reduction <add>, %reduce_sum3A_366, %reduce_sum3A_367 [1, 2] : vector<1x512x1xf32> to vector<1xf32>
    %reduce_sum3A_369 = vector.shape_cast %reduce_sum3A_368 : vector<1xf32> to vector<1x1x1xf32>
    %reduce_sum3A_370 = vector.extract %reduce_sum3A_369[0, 0, 0] : f32 from vector<1x1x1xf32>
    %add3A_371 = arith.addf %add3A_334, %reduce_sum3A_370 : f32
    %div3A_372 = arith.constant 3.584000e+03 : f32
    %div3A_373 = arith.divf %add3A_371, %div3A_372 : f32
    %mul3A_374 = arith.constant 2.000000e+00 : f32
    %mul3A_375 = arith.mulf %mul3A_374, %div3A_373 : f32
    %add3A_376 = arith.addf %div3A_105, %mul3A_375 : f32
    %broadcast_in_dim3A_377 = vector.broadcast %add3A_376 : f32 to vector<1x1xf32>
    %swap3A = arith.constant 0 : index
    %swap3A_378 = arith.constant 0 : index
    %swap3A_379 = vector.load %arg6[%swap3A, %swap3A_378] : memref<1x1xf32, #tpu.memory_space<vmem>>, vector<1x1xf32>
    tpu.vector_store %arg6[%swap3A, %swap3A_378], %broadcast_in_dim3A_377 {strides = array<i32>} : memref<1x1xf32, #tpu.memory_space<vmem>>, vector<1x1xf32>,
    return
  }
}

</mosaic_0001>

<sc_bundles>
// kernel: kernel.4.cloned.1.call-start
scs
__scs_entry_jumppad:
0x0: {  	(pc) =	sbr.rel $0x88, $3  }
0x1: {  	(tag) =	ssettag $0x0;
	lr =	simm.s32 $0x1  }
0x2: {  	[smem:$0x3F96] =	sst lr;
	_ =	strace $0xD0000000  }
0x3: {  	_ = 	snop  }
0x4: {  	_ = 	snop  }
0x5: {  	_ = 	snop  }
0x6: {  	_ = 	snop  }
0x7: {  	_ = 	snop  }
__scs_overlays_trampoline_lowered:
0x8: {  	[smem:$0x3FA5] =	sst s0  }
0x9: {  	[smem:$0x3FA6] =	sst s1  }
0xa: {  	[smem:$0x3FA7] =	sst s2  }
0xb: {  	[smem:$0x3FA8] =	sst s3  }
0xc: {  	[smem:$0x3FA9] =	sst s4  }
0xd: {  	[smem:$0x3FAA] =	sst s5  }
0xe: {  	[smem:$0x3FAB] =	sst s6  }
0xf: {  	[smem:$0x3FAC] =	sst s7  }
0x10: {  	[smem:$0x3FAD] =	sst s8  }
0x11: {  	[smem:$0x3FAE] =	sst s9;
	s0 =	simm.s32 @!p0 $0x0  }
0x12: {  	s1 =	sld [smem:$0x3F94];
	s0 =	simm.s32 @p0 $0x1  }
0x13: {  	[smem:$0x3FAF] =	sst s0;
	s0 =	simm.s32 @!p1 $0x0  }
0x14: {  	s2 =	sld [smem:$0x3F93];
	s0 =	simm.s32 @p1 $0x1  }
0x15: {  	[smem:$0x3FB0] =	sst s0;
	s0 =	simm.s32 @!p2 $0x0  }
0x16: {  	s3 =	sld [smem:$0x3FDB];
	s0 =	simm.s32 @p2 $0x1  }
0x17: {  	s4 =	simm.s32 $0x1BF5;
	[smem:$0x3FB2] =	sst s0  }
0x18: {  	s0 =	sld [smem:$0x3F95];
	_ =	swait.ge [sflag:s4], $0x0  }
0x19: {  	s7 =	sld [smem:$0x3F96]  }
0x1a: {  	s8 =	sadd.s32 $0xFFFFE003, lr  }
0x1b: {  	s9 =	sadd.s32 $0xFFFFFEF7, lr;
	s5 =	simm.s32 $0xFFFFFFFF;
	p2 =	slt.u32 s8, $0xFFFFF086  }
0x1c: {  	p1 =	slt.u32 s9, $0xF7A;
	s5 =	simm.s32 @!p2 $0x0  }
0x1d: {  	s5 =	simm.s32 @p1 $0x1;
	p0 =	seq.s32 s7, s2  }
0x1e: {  	s7 =	smul.u32 @!p0 $0xF7A, s2;
	p2 =	seq.s32 @!p0 s5, $0x0  }
0x1f: {  	s9 =	smul.u32 $0xF7A, s1;
	s8 =	simm.s32 @!p0 $0x1BF5;
	p2 =	por !p2, p0  }
0x20: {  	[sflag:s8] =	ssyncset.s32 @!p0 $0xFFFFF086;
	s6 =	sadd.s32 @!p0 s3, s7;
	s7 =	simm.s32 @!p0 $0x108  }
0x21: {  	s3 =	sadd.s32 s3, s9;
	s6 =	sadd.s32 @!p0 $0x88, s6;
	s7 =	simm.s32 @p2 $0x1082  }
0x22: {  	[simem:s7], [sflag:s8] =	dma.local @!p0 [hbm:s6], $0xF7A  }
0x23: {  	s9 =	sor.u32 $0xD0000000, s2;
	s6 =	simm.s32 $0x108;
	_ =	swait.ge @!p0 [sflag:s8], $0x0  }
0x24: {  	s3 =	sadd.s32 $0x88, s3;
	s6 =	simm.s32 @!p1 $0x1082;
	[sflag:s4] =	ssyncset.s32 $0xFFFFF086  }
0x25: {  	[simem:s6], [sflag:s4] =	dma.local [hbm:s3], $0xF7A  }
0x26: {  	[smem:$0x3F96] =	sst s1;
	(tag) =	ssettag s2;
	_ =	strace s9  }
0x27: {  	s1 =	sld [smem:$0x3FA6]  }
0x28: {  	s2 =	sld [smem:$0x3FA7]  }
0x29: {  	s4 =	sld [smem:$0x3FA9]  }
0x2a: {  	p0 =	seq.s32 s5, $0x0;
	s5 =	sld [smem:$0x3FAA]  }
0x2b: {  	s6 =	sld [smem:$0x3FAB]  }
0x2c: {  	s7 =	sld [smem:$0x3FAC]  }
0x2d: {  	s3 =	simm.s32 $0x108;
	s8 =	sld [smem:$0x3FAD]  }
0x2e: {  	s3 =	simm.s32 @!p0 $0x1082;
	s9 =	sld [smem:$0x3FAE]  }
0x2f: {  	lr =	sadd.s32 s0, s3;
	s0 =	sld [smem:$0x3FA5]  }
0x30: {  	s3 =	sld [smem:$0x3FA8]  }
0x31: {  	[smem:$0x3FB1] =	sst s10  }
0x32: {  	s10 =	sld [smem:$0x3FAF];
	_ =	sdelay $0x3  }
0x33: {  	p0 =	seq.s32 s10, $0x1;
	s10 =	sld [smem:$0x3FB1];
	_ =	sdelay $0x3  }
0x34: {  	[smem:$0x3FB1] =	sst s10  }
0x35: {  	s10 =	sld [smem:$0x3FB0];
	_ =	sdelay $0x3  }
0x36: {  	p1 =	seq.s32 s10, $0x1;
	s10 =	sld [smem:$0x3FB1];
	_ =	sdelay $0x3  }
0x37: {  	[smem:$0x3FB1] =	sst s10  }
0x38: {  	s10 =	sld [smem:$0x3FB2]  }
0x39: {  	_ = 	snop;
	(pc) =	sbr.ind lr, $3  }
0x3a: {  	_ = 	snop  }
0x3b: {  	_ = 	snop  }
0x3c: {  	p2 =	seq.s32 s10, $0x1;
	s10 =	sld [smem:$0x3FB1]  }
0x3d: {  	_ =	shalt  }
0x3e: {  	_ =	shalt  }
0x3f: {  	_ =	shalt  }
0x40: {  	_ =	shalt  }
0x41: {  	_ =	shalt  }
0x42: {  	_ =	shalt  }
0x43: {  	_ =	shalt  }
0x44: {  	_ =	shalt  }
0x45: {  	_ =	shalt  }
0x46: {  	_ =	shalt  }
0x47: {  	_ =	shalt  }
0x48: {  	_ =	shalt  }
0x49: {  	_ =	shalt  }
0x4a: {  	_ =	shalt  }
0x4b: {  	_ =	shalt  }
0x4c: {  	_ =	shalt  }
0x4d: {  	_ =	shalt  }
0x4e: {  	_ =	shalt  }
0x4f: {  	_ =	shalt  }
0x50: {  	_ =	shalt  }
0x51: {  	_ =	shalt  }
0x52: {  	_ =	shalt  }
0x53: {  	_ =	shalt  }
0x54: {  	_ =	shalt  }
0x55: {  	_ =	shalt  }
0x56: {  	_ =	shalt  }
0x57: {  	_ =	shalt  }
0x58: {  	_ =	shalt  }
0x59: {  	_ =	shalt  }
0x5a: {  	_ =	shalt  }
0x5b: {  	_ =	shalt  }
0x5c: {  	_ =	shalt  }
0x5d: {  	_ =	shalt  }
0x5e: {  	_ =	shalt  }
0x5f: {  	_ =	shalt  }
0x60: {  	_ =	shalt  }
0x61: {  	_ =	shalt  }
0x62: {  	_ =	shalt  }
0x63: {  	_ =	shalt  }
0x64: {  	_ =	shalt  }
0x65: {  	_ =	shalt  }
0x66: {  	_ =	shalt  }
0x67: {  	_ =	shalt  }
0x68: {  	_ =	shalt  }
0x69: {  	_ =	shalt  }
0x6a: {  	_ =	shalt  }
0x6b: {  	_ =	shalt  }
0x6c: {  	_ =	shalt  }
0x6d: {  	_ =	shalt  }
0x6e: {  	_ =	shalt  }
0x6f: {  	_ =	shalt  }
0x70: {  	_ =	shalt  }
0x71: {  	_ =	shalt  }
0x72: {  	_ =	shalt  }
0x73: {  	_ =	shalt  }
0x74: {  	_ =	shalt  }
0x75: {  	_ =	shalt  }
0x76: {  	_ =	shalt  }
0x77: {  	_ =	shalt  }
0x78: {  	_ =	shalt  }
0x79: {  	_ =	shalt  }
0x7a: {  	_ =	shalt  }
0x7b: {  	_ =	shalt  }
0x7c: {  	_ =	shalt  }
0x7d: {  	_ =	shalt  }
0x7e: {  	_ =	shalt  }
0x7f: {  	_ =	shalt  }
0x80: {  	_ =	shalt  }
0x81: {  	_ =	shalt  }
0x82: {  	_ =	shalt  }
0x83: {  	_ =	shalt  }
0x84: {  	_ =	shalt  }
0x85: {  	_ =	shalt  }
0x86: {  	_ =	shalt  }
0x87: {  	_ =	shalt  }
.Lfunc_end0:
.L_simem_size_0:
called_computation_lowered:
.L_overlay_start_0:
0x88: {  	s2 =	sld [smem:$0x3FD9]  }
0x89: {  	s3 =	sld [smem:$0x3FFE];
	_ =	sdelay $0x1  }
0x8a: {  	s1 =	srdreg.scid  }
0x8b: {  	s0 =	sand.u32 $0x1, s1  }
0x8c: {  	s17 =	sshll.u32 s0, $0xA;
	s2 =	sadd.s32 s3, s2  }
0x8d: {  	s2 =	sadd.s32 s2, s17  }
0x8e: {  	[smem:$0x3FBD] =	sst s2  }
0x8f: {  	_ = 	snop  }
0x90: {  	s2 =	sld [smem:$0x3FC9];
	(tm) =	ssettm $0x1  }
0x91: {  	s18 =	sld [smem:$0x3FFB];
	_ =	sdelay $0x3  }
0x92: {  	_ =	strace s18  }
0x93: {  	s3 =	sld [smem:$0x3FFC];
	_ =	sdelay $0x3  }
0x94: {  	_ =	strace s3  }
0x95: {  	s3 =	sld [smem:$0x3FFD];
	_ =	sdelay $0x3  }
0x96: {  	_ =	strace s3  }
0x97: {  	_ =	strace $0x8FFFFFFF  }
0x98: {  	s19 =	sld [smem:$0x3FDB];
	_ =	sdelay $0x1  }
0x99: {  	s4 =	simm.s32 $_scs_section_size  }
0x9a: {  	s5 =	simm.s32 $_size__tile_overlayer_lowered;
	s6 =	simm.s32 $_tile_overlayer_lowered  }
0x9b: {  	s22 =	simm.s32 $0x1BFF;
	s21 =	sshll.u32 s6, $0x1;
	s3 =	sadd.s32 s4, s19  }
0x9c: {  	s7 =	simm.s32 $0x0;
	s20 =	sshll.u32 s5, $0x1;
	s5 =	sadd.s32 s21, s3  }
0x9d: {  	[timem:s7], [sflag:s22] =	dma.local [hbm:s5], s20  }
0x9e: {  	_ =	swait.ge [sflag:s22], s20  }
0x9f: {  	s4 =	ssub.s32 $0x0, s20;
	[sflag:s22] =	ssyncset.done $0x0  }
0xa0: {  	[sflag:s22] =	ssyncadd.s32 s4;
	_ =	sdelay $0x1  }
0xa1: {  	s23 =	simm.s32 $0x1B8B  }
0xa2: {  	_ =	swait.ge [sflag:s23], $0x1  }
0xa3: {  	[sflag:s23] =	ssyncset.done $0x0  }
0xa4: {  	s25 =	simm.s32 $0x1B8E;
	s24 =	sld [smem:$0x3FFE];
	[sflag:s23] =	ssyncadd.s32 $0xFFFFFFFF  }
0xa5: {  	s26 =	simm.s32 $execute0_lowered;
	[smem:$0x3FD2] =	sst s25  }
0xa6: {  	s5 =	sshll.u32 s26, $0x1;
	_ =	strace $0x80000046;
	[dreg:$0x1] =	wrdreg $0xFFFFFFFF  }
0xa7: {  	s28 =	simm.s32 $_size_execute0_lowered;
	s3 =	sadd.s32 s3, s5;
	[dreg:$0x0] =	wrdreg $0x0  }
0xa8: {  	s5 =	sshll.u32 s28, $0x1;
	[dreg:$0x2] =	wrdreg s3  }
0xa9: {  	[dreg:$0x3] =	wrdreg s5  }
0xaa: {  	[dreg:$0x4] =	wrdreg $0xC0  }
0xab: {  	_ =	task [dreg:s7], $0x5FFFF  }
0xac: {  	[dreg:$0x1] =	wrdreg $0xFFFFFFFF  }
0xad: {  	[dreg:$0x0] =	wrdreg $0x60  }
0xae: {  	[dreg:$0x2] =	wrdreg s2  }
0xaf: {  	[dreg:$0x3] =	wrdreg s24  }
0xb0: {  	[dreg:$0x4] =	wrdreg $0x9  }
0xb1: {  	_ =	task.clear_ibuf [dreg:s7], $0x5FFFF;
	_ =	strace $0x90000046  }
0xb2: {  	s29 =	simm.s32 $0x9;
	_ =	strace $0x80000048  }
0xb3: {  	_ =	swait.ge [sflag:s29], $0x1  }
0xb4: {  	[sflag:s29] =	ssyncadd.s32 $0xFFFFFFFF  }
0xb5: {  	_ =	strace $0x90000048  }
0xb6: {  	_ =	sfence  }
0xb7: {  	s30 =	sld [smem:$0x0];
	_ =	sdelay $0x2  }
0xb8: {  	s31 =	sshll.u32 s1, $0xD;
	s1 =	sshrl.u32 s1, $0x2  }
0xb9: {  	s3 =	sand.u32 $0x4000, s31;
	s1 =	sadd.s32 s1, s30  }
0xba: {  	s0 =	sor.u32 s3, s0;
	s1 =	sshll.u32 s1, $0x11  }
0xbb: {  	s0 =	sor.u32 s1, s0  }
0xbc: {  	s0 =	sadd.s32 $0x8F2B, s0  }
0xbd: {  	[sflag:s0] =	ssyncadd.remote.s32 $0x1  }
0xbe: {  	_ =	sfence.sel $0xFFFF  }
0xbf: {  	[dreg:$0x0] =	wrdreg $0xFFFFFFFF;
	(pc) =	sbr.abs _section_cstart, $3  }
0xc0: {  	[dreg:$0x1] =	wrdreg $0xFFFFFFFF  }
0xc1: {  	_ =	task.clear_ibuf [dreg:s7], $0x2FFFF;
	_ =	strace $0x9FFFFFFF  }
0xc2: {  	(tm) =	ssettm $0x7FFFFFFF  }
0xc3: {  	_ =	shalt  }
tec
execute0_lowered:
.L_overlay_start_1:
0x0: {  	(tag) =	ssettag $0x1  }
0x1: {  	s1 =	srdreg.scid  }
0x2: {  	s0 =	stileid.u32;
	s2 =	rddreg [dreg:$0x0]  }
0x3: {  	s5 =	rddreg [dreg:$0x1];
	s1 =	sand.u32 $0x1, s1;
	s3 =	sshll.u32 s0, $0x1  }
0x4: {  	s14 =	simm.s32 $0x900;
	s4 =	sor.u32 s1, s3;
	s3 =	simm.s32 $0x0  }
0x5: {  	s15 =	simm.s32 $0xD00;
	s16 =	simm.s32 $0x1500;
	[smem:$0x7FF] =	sst s3  }
0x6: {  	s17 =	simm.s32 $0x1900;
	_ =	strace $0x80000047;
	[dreg:$0x5] =	wrdreg s14  }
0x7: {  	s18 =	simm.s32 $0x2100;
	s19 =	simm.s32 $0x2500;
	[dreg:$0x6] =	wrdreg s15  }
0x8: {  	s20 =	simm.s32 $0x2D00;
	s21 =	simm.s32 $0x3100;
	[dreg:$0x7] =	wrdreg s16  }
0x9: {  	s23 =	simm.s32 $0x3900;
	s24 =	simm.s32 $0x3D00;
	[dreg:$0x8] =	wrdreg s17  }
0xa: {  	s25 =	simm.s32 $0x4500;
	s26 =	simm.s32 $0x4900;
	[dreg:$0x9] =	wrdreg s18  }
0xb: {  	s7 =	simm.s32 $0x100;
	s9 =	simm.s32 $0x5500;
	[dreg:$0xa] =	wrdreg s19  }
0xc: {  	s10 =	simm.s32 $0x5D00;
	s11 =	simm.s32 $0x6100;
	[dreg:$0xb] =	wrdreg s20  }
0xd: {  	s12 =	simm.s32 $0x6900;
	s28 =	simm.s32 $0xC100;
	[dreg:$0xc] =	wrdreg s21  }
0xe: {  	s29 =	simm.s32 $0xC900;
	s30 =	simm.s32 $0xCD00;
	[dreg:$0xd] =	wrdreg s23  }
0xf: {  	s31 =	simm.s32 $0xD500;
	s1 =	ssub.s32 $0x2, s1;
	[dreg:$0xe] =	wrdreg s24  }
0x10: {  	s6 =	smul.u32 $0x12, s4;
	s22 =	sshrl.u32 s1, $0x1;
	[dreg:$0xf] =	wrdreg s25  }
0x11: {  	s4 =	smul.u32 $0x1B00, s4;
	s1 =	ssub.s32 s1, s22;
	[dreg:$0x10] =	wrdreg s26  }
0x12: {  	s14 =	simm.s32 $0x7500;
	s15 =	simm.s32 $0x7900;
	s16 =	simm.s32 $0x8100  }
0x13: {  	s17 =	simm.s32 $0x8500;
	s18 =	simm.s32 $0x8D00;
	s19 =	simm.s32 $0x9100  }
0x14: {  	s20 =	simm.s32 $0x9900;
	s21 =	simm.s32 $0x9D00;
	s22 =	simm.s32 $0xA500  }
0x15: {  	s23 =	simm.s32 $0xA900;
	s24 =	simm.s32 $0xB100;
	s25 =	simm.s32 $0xB500  }
0x16: {  	s26 =	simm.s32 $0xBD00;
	s6 =	sadd.s32 s6, s5;
	s4 =	sadd.s32 s4, s5  }
0x17: {  	v2 =	vlaneseq.u32;
	s5 =	smax.u32 s1, $0x1;
	s1 =	simm.s32 $0x1;
	s13 =	sadd.s32 $0x1A00, s6  }
0x18: {  	vm0 =	vmmov $0xffff;
	vm1 =	vmmov $0xff;
	v1 =	vshrl.u32 v2, $0x3;
	s4 =	sadd.s32 $0x1E00, s4;
	s6 =	simm.s32 $0x2;
	[dreg:$0x3] =	wrdreg s13  }
0x19: {  	v0 =	vand.u32 $0x7, v2;
	v2 =	vor.u32 $0x8, v2;
	v1 =	vmul.u32 $0x8, v1;
	[dreg:$0x4] =	wrdreg s4;
	s4 =	sadd.s32 $0x100, s2;
	s13 =	simm.s32 $0x6D00  }
.LBB2_1:
0x1a: {  	s0 =	rddreg [dreg:$0x3]  }
0x1b: {  	[tilespmem:s3], [sflag:$0x2] =	stream.linear.gather [hbm4b:s0+s3], $0x90, $0x38;
	[tilespmem:$0xD900] =	vst v63  }
0x1c: {  	_ =	swait.ge [sflag:s6], $0x90  }
0x1d: {  	[sflag:s6] =	ssyncset.done $0x0  }
0x1e: {  	[sflag:s6] =	ssyncadd.s32 $0xFFFFFF70  }
0x1f: {  	v3 =	vld [tilespmem:$0x0];
	_ =	sdelay $0x4  }
0x20: {  	v4 =	vshrl.u32 v3, $0x3  }
0x21: {  	v4 =	vmul.u32 $0x18, v4  }
0x22: {  	v3 =	vand.u32 $0x7, v3  }
0x23: {  	v3 =	vor.u32 v3, v4  }
0x24: {  	v4 =	vperm.xlane v3, v0;
	_ =	sdelay $0x1  }
0x25: {  	v4 =	vadd.s32 v1, v4;
	_ =	sdelay $0x1  }
0x26: {  	v3 =	vperm.xlane v3, v2;
	_ =	sdelay $0x1  }
0x27: {  	v3 =	vadd.s32 v1, v3  }
0x28: {  	[tilespmem:s7], [sflag:$0x1] =	stream.indirect_vreg.gather [hbm4b:s2+s3], $0x80, v4, vm0, $0xb8;
	[tilespmem:$0xD900] =	vst v63  }
0x29: {  	s0 =	rddreg [dreg:$0x5]  }
0x2a: {  	[tilespmem:s0], [sflag:$0x1] =	stream.indirect_vreg.gather [hbm4b:s4+s3], $0x80, v4, vm1, $0xb8;
	[tilespmem:$0xD900] =	vst v63  }
0x2b: {  	s8 =	rddreg [dreg:$0x6]  }
0x2c: {  	[tilespmem:s8], [sflag:$0x1] =	stream.indirect_vreg.gather [hbm4b:s2+s3], $0x80, v3, vm0, $0xb8;
	[tilespmem:$0xD900] =	vst v63  }
0x2d: {  	s0 =	rddreg [dreg:$0x7]  }
0x2e: {  	[tilespmem:s0], [sflag:$0x1] =	stream.indirect_vreg.gather [hbm4b:s4+s3], $0x80, v3, vm1, $0xb8;
	[tilespmem:$0xD900] =	vst v63  }
0x2f: {  	v3 =	vld [tilespmem:$0x10];
	_ =	sdelay $0x4  }
0x30: {  	v56 =	vshrl.u32 v3, $0x3  }
0x31: {  	v4 =	vmul.u32 $0x18, v56  }
0x32: {  	v3 =	vand.u32 $0x7, v3  }
0x33: {  	v3 =	vor.u32 v3, v4  }
0x34: {  	v4 =	vperm.xlane v3, v0;
	_ =	sdelay $0x1  }
0x35: {  	v4 =	vadd.s32 v1, v4;
	_ =	sdelay $0x1  }
0x36: {  	v3 =	vperm.xlane v3, v2;
	_ =	sdelay $0x1  }
0x37: {  	s0 =	rddreg [dreg:$0x8];
	v3 =	vadd.s32 v1, v3  }
0x38: {  	[tilespmem:s0], [sflag:$0x1] =	stream.indirect_vreg.gather [hbm4b:s2+s3], $0x80, v4, vm0, $0xb8;
	[tilespmem:$0xD900] =	vst v63  }
0x39: {  	s8 =	rddreg [dreg:$0x9]  }
0x3a: {  	[tilespmem:s8], [sflag:$0x1] =	stream.indirect_vreg.gather [hbm4b:s4+s3], $0x80, v4, vm1, $0xb8;
	[tilespmem:$0xD900] =	vst v63  }
0x3b: {  	s0 =	rddreg [dreg:$0xa]  }
0x3c: {  	[tilespmem:s0], [sflag:$0x1] =	stream.indirect_vreg.gather [hbm4b:s2+s3], $0x80, v3, vm0, $0xb8;
	[tilespmem:$0xD900] =	vst v63  }
0x3d: {  	s8 =	rddreg [dreg:$0xb]  }
0x3e: {  	[tilespmem:s8], [sflag:$0x1] =	stream.indirect_vreg.gather [hbm4b:s4+s3], $0x80, v3, vm1, $0xb8;
	[tilespmem:$0xD900] =	vst v63  }
0x3f: {  	v3 =	vld [tilespmem:$0x20];
	_ =	sdelay $0x4  }
0x40: {  	v57 =	vshrl.u32 v3, $0x3  }
0x41: {  	v4 =	vmul.u32 $0x18, v57  }
0x42: {  	v3 =	vand.u32 $0x7, v3  }
0x43: {  	v3 =	vor.u32 v3, v4  }
0x44: {  	v4 =	vperm.xlane v3, v0;
	_ =	sdelay $0x1  }
0x45: {  	v4 =	vadd.s32 v1, v4;
	_ =	sdelay $0x1  }
0x46: {  	v3 =	vperm.xlane v3, v2;
	_ =	sdelay $0x1  }
0x47: {  	s0 =	rddreg [dreg:$0xc];
	v3 =	vadd.s32 v1, v3  }
0x48: {  	[tilespmem:s0], [sflag:$0x1] =	stream.indirect_vreg.gather [hbm4b:s2+s3], $0x80, v4, vm0, $0xb8;
	[tilespmem:$0xD900] =	vst v63  }
0x49: {  	s8 =	rddreg [dreg:$0xd]  }
0x4a: {  	[tilespmem:s8], [sflag:$0x1] =	stream.indirect_vreg.gather [hbm4b:s4+s3], $0x80, v4, vm1, $0xb8;
	[tilespmem:$0xD900] =	vst v63  }
0x4b: {  	s0 =	rddreg [dreg:$0xe]  }
0x4c: {  	[tilespmem:s0], [sflag:$0x1] =	stream.indirect_vreg.gather [hbm4b:s2+s3], $0x80, v3, vm0, $0xb8;
	[tilespmem:$0xD900] =	vst v63  }
0x4d: {  	s8 =	rddreg [dreg:$0xf]  }
0x4e: {  	[tilespmem:s8], [sflag:$0x1] =	stream.indirect_vreg.gather [hbm4b:s4+s3], $0x80, v3, vm1, $0xb8;
	[tilespmem:$0xD900] =	vst v63  }
0x4f: {  	v3 =	vld [tilespmem:$0x30];
	_ =	sdelay $0x4  }
0x50: {  	v58 =	vshrl.u32 v3, $0x3  }
0x51: {  	v4 =	vmul.u32 $0x18, v58  }
0x52: {  	v3 =	vand.u32 $0x7, v3  }
0x53: {  	v3 =	vor.u32 v3, v4  }
0x54: {  	v4 =	vperm.xlane v3, v0;
	_ =	sdelay $0x1  }
0x55: {  	v4 =	vadd.s32 v1, v4;
	_ =	sdelay $0x1  }
0x56: {  	v3 =	vperm.xlane v3, v2;
	_ =	sdelay $0x1  }
0x57: {  	s8 =	rddreg [dreg:$0x10];
	v3 =	vadd.s32 v1, v3  }
0x58: {  	[tilespmem:s8], [sflag:$0x1] =	stream.indirect_vreg.gather [hbm4b:s2+s3], $0x80, v4, vm0, $0xb8;
	[tilespmem:$0xD900] =	vst v63  }
0x59: {  	s8 =	simm.s32 $0x5100  }
0x5a: {  	[tilespmem:s8], [sflag:$0x1] =	stream.indirect_vreg.gather [hbm4b:s4+s3], $0x80, v4, vm1, $0xb8;
	[tilespmem:$0xD900] =	vst v63  }
0x5b: {  	_ = 	snop  }
0x5c: {  	[tilespmem:s9], [sflag:$0x1] =	stream.indirect_vreg.gather [hbm4b:s2+s3], $0x80, v3, vm0, $0xb8;
	[tilespmem:$0xD900] =	vst v63  }
0x5d: {  	_ = 	snop  }
0x5e: {  	[tilespmem:s10], [sflag:$0x1] =	stream.indirect_vreg.gather [hbm4b:s4+s3], $0x80, v3, vm1, $0xb8;
	[tilespmem:$0xD900] =	vst v63  }
0x5f: {  	v3 =	vld [tilespmem:$0x40];
	_ =	sdelay $0x4  }
0x60: {  	v59 =	vshrl.u32 v3, $0x3  }
0x61: {  	v4 =	vmul.u32 $0x18, v59  }
0x62: {  	v3 =	vand.u32 $0x7, v3  }
0x63: {  	v3 =	vor.u32 v3, v4  }
0x64: {  	v4 =	vperm.xlane v3, v0;
	_ =	sdelay $0x1  }
0x65: {  	v4 =	vadd.s32 v1, v4;
	_ =	sdelay $0x1  }
0x66: {  	v3 =	vperm.xlane v3, v2;
	_ =	sdelay $0x1  }
0x67: {  	v3 =	vadd.s32 v1, v3  }
0x68: {  	[tilespmem:s11], [sflag:$0x1] =	stream.indirect_vreg.gather [hbm4b:s2+s3], $0x80, v4, vm0, $0xb8;
	[tilespmem:$0xD900] =	vst v63  }
0x69: {  	_ = 	snop  }
0x6a: {  	[tilespmem:s12], [sflag:$0x1] =	stream.indirect_vreg.gather [hbm4b:s4+s3], $0x80, v4, vm1, $0xb8;
	[tilespmem:$0xD900] =	vst v63  }
0x6b: {  	_ = 	snop  }
0x6c: {  	[tilespmem:s13], [sflag:$0x1] =	stream.indirect_vreg.gather [hbm4b:s2+s3], $0x80, v3, vm0, $0xb8;
	[tilespmem:$0xD900] =	vst v63  }
0x6d: {  	_ = 	snop  }
0x6e: {  	[tilespmem:s14], [sflag:$0x1] =	stream.indirect_vreg.gather [hbm4b:s4+s3], $0x80, v3, vm1, $0xb8;
	[tilespmem:$0xD900] =	vst v63  }
0x6f: {  	v3 =	vld [tilespmem:$0x50];
	_ =	sdelay $0x4  }
0x70: {  	v60 =	vshrl.u32 v3, $0x3  }
0x71: {  	v4 =	vmul.u32 $0x18, v60  }
0x72: {  	v3 =	vand.u32 $0x7, v3  }
0x73: {  	v3 =	vor.u32 v3, v4  }
0x74: {  	v4 =	vperm.xlane v3, v0;
	_ =	sdelay $0x1  }
0x75: {  	v4 =	vadd.s32 v1, v4;
	_ =	sdelay $0x1  }
0x76: {  	v3 =	vperm.xlane v3, v2;
	_ =	sdelay $0x1  }
0x77: {  	v3 =	vadd.s32 v1, v3  }
0x78: {  	[tilespmem:s15], [sflag:$0x1] =	stream.indirect_vreg.gather [hbm4b:s2+s3], $0x80, v4, vm0, $0xb8;
	[tilespmem:$0xD900] =	vst v63  }
0x79: {  	_ = 	snop  }
0x7a: {  	[tilespmem:s16], [sflag:$0x1] =	stream.indirect_vreg.gather [hbm4b:s4+s3], $0x80, v4, vm1, $0xb8;
	[tilespmem:$0xD900] =	vst v63  }
0x7b: {  	_ = 	snop  }
0x7c: {  	[tilespmem:s17], [sflag:$0x1] =	stream.indirect_vreg.gather [hbm4b:s2+s3], $0x80, v3, vm0, $0xb8;
	[tilespmem:$0xD900] =	vst v63  }
0x7d: {  	_ = 	snop  }
0x7e: {  	[tilespmem:s18], [sflag:$0x1] =	stream.indirect_vreg.gather [hbm4b:s4+s3], $0x80, v3, vm1, $0xb8;
	[tilespmem:$0xD900] =	vst v63  }
0x7f: {  	v3 =	vld [tilespmem:$0x60];
	_ =	sdelay $0x4  }
0x80: {  	v61 =	vshrl.u32 v3, $0x3  }
0x81: {  	v4 =	vmul.u32 $0x18, v61  }
0x82: {  	v3 =	vand.u32 $0x7, v3  }
0x83: {  	v3 =	vor.u32 v3, v4  }
0x84: {  	v4 =	vperm.xlane v3, v0;
	_ =	sdelay $0x1  }
0x85: {  	v4 =	vadd.s32 v1, v4;
	_ =	sdelay $0x1  }
0x86: {  	v3 =	vperm.xlane v3, v2;
	_ =	sdelay $0x1  }
0x87: {  	v3 =	vadd.s32 v1, v3  }
0x88: {  	[tilespmem:s19], [sflag:$0x1] =	stream.indirect_vreg.gather [hbm4b:s2+s3], $0x80, v4, vm0, $0xb8;
	[tilespmem:$0xD900] =	vst v63  }
0x89: {  	_ = 	snop  }
0x8a: {  	[tilespmem:s20], [sflag:$0x1] =	stream.indirect_vreg.gather [hbm4b:s4+s3], $0x80, v4, vm1, $0xb8;
	[tilespmem:$0xD900] =	vst v63  }
0x8b: {  	_ = 	snop  }
0x8c: {  	[tilespmem:s21], [sflag:$0x1] =	stream.indirect_vreg.gather [hbm4b:s2+s3], $0x80, v3, vm0, $0xb8;
	[tilespmem:$0xD900] =	vst v63  }
0x8d: {  	_ = 	snop  }
0x8e: {  	[tilespmem:s22], [sflag:$0x1] =	stream.indirect_vreg.gather [hbm4b:s4+s3], $0x80, v3, vm1, $0xb8;
	[tilespmem:$0xD900] =	vst v63  }
0x8f: {  	v3 =	vld [tilespmem:$0x70];
	_ =	sdelay $0x4  }
0x90: {  	v62 =	vshrl.u32 v3, $0x3  }
0x91: {  	v4 =	vmul.u32 $0x18, v62  }
0x92: {  	v3 =	vand.u32 $0x7, v3  }
0x93: {  	v3 =	vor.u32 v3, v4  }
0x94: {  	v4 =	vperm.xlane v3, v0;
	_ =	sdelay $0x1  }
0x95: {  	v4 =	vadd.s32 v1, v4;
	_ =	sdelay $0x1  }
0x96: {  	v3 =	vperm.xlane v3, v2;
	_ =	sdelay $0x1  }
0x97: {  	v3 =	vadd.s32 v1, v3  }
0x98: {  	[tilespmem:s23], [sflag:$0x1] =	stream.indirect_vreg.gather [hbm4b:s2+s3], $0x80, v4, vm0, $0xb8;
	[tilespmem:$0xD900] =	vst v63  }
0x99: {  	_ = 	snop  }
0x9a: {  	[tilespmem:s24], [sflag:$0x1] =	stream.indirect_vreg.gather [hbm4b:s4+s3], $0x80, v4, vm1, $0xb8;
	[tilespmem:$0xD900] =	vst v63  }
0x9b: {  	_ = 	snop  }
0x9c: {  	[tilespmem:s25], [sflag:$0x1] =	stream.indirect_vreg.gather [hbm4b:s2+s3], $0x80, v3, vm0, $0xb8;
	[tilespmem:$0xD900] =	vst v63  }
0x9d: {  	_ = 	snop  }
0x9e: {  	[tilespmem:s26], [sflag:$0x1] =	stream.indirect_vreg.gather [hbm4b:s4+s3], $0x80, v3, vm1, $0xb8;
	[tilespmem:$0xD900] =	vst v63  }
0x9f: {  	v3 =	vld [tilespmem:$0x80];
	_ =	sdelay $0x4  }
0xa0: {  	v63 =	vshrl.u32 v3, $0x3  }
0xa1: {  	v4 =	vmul.u32 $0x18, v63  }
0xa2: {  	v3 =	vand.u32 $0x7, v3  }
0xa3: {  	v3 =	vor.u32 v3, v4  }
0xa4: {  	v4 =	vperm.xlane v3, v0;
	_ =	sdelay $0x1  }
0xa5: {  	v4 =	vadd.s32 v1, v4;
	_ =	sdelay $0x1  }
0xa6: {  	v3 =	vperm.xlane v3, v2;
	_ =	sdelay $0x1  }
0xa7: {  	v3 =	vadd.s32 v1, v3  }
0xa8: {  	[tilespmem:s28], [sflag:$0x1] =	stream.indirect_vreg.gather [hbm4b:s2+s3], $0x80, v4, vm0, $0xb8;
	[tilespmem:$0xD900] =	vst v63  }
0xa9: {  	_ = 	snop  }
0xaa: {  	[tilespmem:s29], [sflag:$0x1] =	stream.indirect_vreg.gather [hbm4b:s4+s3], $0x80, v4, vm1, $0xb8;
	[tilespmem:$0xD900] =	vst v63  }
0xab: {  	_ = 	snop  }
0xac: {  	[tilespmem:s30], [sflag:$0x1] =	stream.indirect_vreg.gather [hbm4b:s2+s3], $0x80, v3, vm0, $0xb8;
	[tilespmem:$0xD900] =	vst v63  }
0xad: {  	_ = 	snop  }
0xae: {  	[tilespmem:s31], [sflag:$0x1] =	stream.indirect_vreg.gather [hbm4b:s4+s3], $0x80, v3, vm1, $0xb8;
	[tilespmem:$0xD900] =	vst v63  }
0xaf: {  	_ =	swait.ge [sflag:s1], $0xC000  }
0xb0: {  	[sflag:s1] =	ssyncset.done $0x0  }
0xb1: {  	[sflag:s1] =	ssyncadd.s32 $0xFFFF4000  }
0xb2: {  	_ =	swait.ge [sflag:s1], $0x1800  }
0xb3: {  	p0 =	sne.s32 s5, $0x1;
	[sflag:s1] =	ssyncset.done $0x0  }
.Ltmp0:
0xb4: {  	s8 =	rddreg [dreg:$0x4];
	[sflag:s1] =	ssyncadd.s32 $0xFFFFE800;
	(pc) =	sbr.rel @p0 .LBB2_1-.Ltmp0, $4  }
0xb5: {  	[hbm4b:s8+s3] =	stream.linear.scatter [tilespmem:s7], [sflag:$0x2], $0xD800, $0x38;
	[tilespmem:$0xD900] =	vst v63  }
0xb6: {  	_ =	swait.ge [sflag:s6], $0xD800  }
0xb7: {  	[sflag:s6] =	ssyncset.done $0x0  }
0xb8: {  	s5 =	sadd.s32 $0xFFFFFFFF, s5;
	[sflag:s6] =	ssyncadd.s32 $0xFFFF2800  }
0xb9: {  	_ =	sfence.sel $0x180000  }
0xba: {  	[bflag:$0x0] =	sbarrier.arrive $0xFFFF  }
0xbb: {  	_ =	strace $0x90000047  }
0xbc: {  	s0 =	stileid.u32;
	[bflag:$0x2] =	sbarrier.arrive $0xFFFF  }
0xbd: {  	p0 =	sne.s32 s0, $0x0;
	s0 =	rddreg [dreg:$0x2]  }
0xbe: {  	s0 =	sadd.s32 @!p0 $0x100000, s0  }
0xbf: {  	[sflag:s0] =	ssyncadd.tile.s32 @!p0 $0x1;
	_ =	shalt  }
.Lfunc_end2:
_tile_overlayer_lowered:
.L_overlay_start_2:
0xc0: {  	(tag) =	ssettag $0x2  }
0xc1: {  	s0 =	rddreg [dreg:$0x0];
	s2 =	stileid.u32  }
0xc2: {  	s1 =	rddreg [dreg:$0x1];
	p0 =	sne.s32 s2, $0x0  }
0xc3: {  	s3 =	rddreg [dreg:$0x2];
	[bflag:$0x3] =	sbarrier.arrive $0xFFFF;
	s2 =	simm.s32 @!p0 $0x1C02  }
0xc4: {  	[timem:s3], [sflag:s2] =	dma.local @!p0 [hbm:s0], s1  }
0xc5: {  	s0 =	simm.s32 @!p0 $0x2  }
0xc6: {  	_ =	swait.ge @!p0 [sflag:s0], s1  }
0xc7: {  	s1 =	ssub.s32 @!p0 $0x0, s1;
	[sflag:s0] =	ssyncset.done @!p0 $0x0  }
0xc8: {  	[sflag:s0] =	ssyncadd.s32 @!p0 s1  }
0xc9: {  	[bflag:$0x3] =	sbarrier.arrive $0xFFFF  }
0xca: {  	_ =	shalt  }

</sc_bundles>
